<compile_context>
chip_gen: v7x
topology: tpu7x:2x2x1
jax: 0.10.2.dev20260603
libtpu: 0.0.44.dev20260713+nightly
codegen_flags: <defaults>
</compile_context>

<pallas_src>
import jax
import jax.numpy as jnp
from jax import lax
from jax.experimental import pallas as pl
from jax.experimental.pallas import tpu as pltpu
from jax.experimental.pallas import tpu_sc as plsc

_NUM_EMBED = 1000000
_EMBED_DIM = 64
_TP_RANK = 2
_TP_SIZE = 8
_PER_PART = _NUM_EMBED // _TP_SIZE
_VS = _PER_PART * _TP_RANK
_VE = _VS + _PER_PART
_ZROW = _PER_PART
_NZROW = 4096

_NC, _NS, _L = 2, 16, 16
_NW = _NC * _NS
_B, _P = 16384, 50
_N = _B * _P
_PER_W = _N // _NW
_CROWS = 512
_NCHUNK = _PER_W // _CROWS
_GD = 128
_NGD = _CROWS // _GD


def _emb_body(x_hbm, w_hbm, out_hbm, idx_v, stage, sem_g, sem_w):
  wid = lax.axis_index("s") * _NC + lax.axis_index("c")
  base = wid * _PER_W

  pltpu.sync_copy(x_hbm.at[pl.ds(base, _PER_W)], idx_v)

  def sb(t, carry):
    xv = idx_v[pl.ds(t * _L, _L)]
    m = (xv >= _VS) & (xv < _VE)
    idx_v[pl.ds(t * _L, _L)] = jnp.where(
        m, xv - _VS, _ZROW + (xv & (_NZROW - 1)))
    return carry

  lax.fori_loop(0, _PER_W // _L, sb, 0)

  def gathers(c, p):
    return [
        pltpu.make_async_copy(
            w_hbm.at[idx_v.at[pl.ds(c * _CROWS + k * _GD, _GD)]],
            stage.at[p, pl.ds(k * _GD, _GD)], sem_g.at[p])
        for k in range(_NGD)
    ]

  def write(c, p):
    return pltpu.make_async_copy(
        stage.at[p], out_hbm.at[pl.ds(base + c * _CROWS, _CROWS)], sem_w.at[p])

  for q in range(2):
    for cp in gathers(q, q):
      cp.start()

  def chunk(c, carry):
    @pl.when(c > 0)
    def _():
      write(c - 1, (c - 1) % 3).wait()

    @pl.when(c + 2 < _NCHUNK)
    def _():
      for cp in gathers(c + 2, (c + 2) % 3):
        cp.start()

    for cp in gathers(c, c % 3):
      cp.wait()
    write(c, c % 3).start()
    return carry

  lax.fori_loop(0, _NCHUNK, chunk, 0)
  write(_NCHUNK - 1, (_NCHUNK - 1) % 3).wait()


@jax.jit
def _emb(x_flat, w_ext):
  mesh = plsc.VectorSubcoreMesh(
      core_axis_name="c", subcore_axis_name="s",
      num_cores=_NC, num_subcores=_NS)
  f = pl.kernel(
      _emb_body,
      out_type=jax.ShapeDtypeStruct((_N, _EMBED_DIM), jnp.float32),
      mesh=mesh,
      scratch_types=[
          pltpu.VMEM((_PER_W,), jnp.int32),
          pltpu.VMEM((3, _CROWS, _EMBED_DIM), jnp.float32),
          pltpu.SemaphoreType.DMA((3,)),
          pltpu.SemaphoreType.DMA((3,)),
      ],
      compiler_params=pltpu.CompilerParams(
          needs_layout_passes=False, use_tc_tiling_on_sc=False),
  )
  return f(x_flat, w_ext)


def kernel(x, weight):
  w_ext = jnp.concatenate(
      [weight, jnp.zeros((_NZROW, _EMBED_DIM), jnp.float32)], axis=0)
  return _emb(x.reshape(-1).astype(jnp.int32), w_ext).reshape(
      _B, _P, _EMBED_DIM)

# --- scband reference (transcript-rebuilt; emitter-appended) ---
"""Pipeline reference for scband-vocab-parallel-embedding-test-65798898974806 (READ-ONLY COPY).

The authoritative reference and input builder live on the scoring server;
editing this copy changes nothing except your own understanding.
"""

import jax, jax.numpy as jnp
import numpy as np

NUM_EMBED = 1000000
EMBED_DIM = 64
TP_RANK = 2
TP_SIZE = 8
PER_PART = NUM_EMBED // TP_SIZE
VOCAB_START = PER_PART * TP_RANK
VOCAB_END = VOCAB_START + PER_PART


def setup_inputs(seed: int = 0) -> dict:
    key = jax.random.key(seed)
    k1, k2 = jax.random.split(key)
    x = jax.random.randint(k1, (16384, 50), 0, NUM_EMBED, dtype=jnp.int64 if jax.config.jax_enable_x64 else jnp.int32)
    weight = jax.random.normal(k2, (PER_PART, EMBED_DIM), dtype=jnp.float32) * 0.02
    return {"x": x, "weight": weight}


def reference(x, weight):
    # VocabParallelEmbedding forward (single TP shard's local computation)
    mask = (x >= VOCAB_START) & (x < VOCAB_END)
    local_x = (x - VOCAB_START) * mask
    y = jnp.take(weight, local_x, axis=0)
    y = y * mask[..., None].astype(y.dtype)
    return y

if __name__ == "__main__":
    import jax
    _d = setup_inputs()
    print(jax.jit(kernel)(*tuple(_d.values())))

</pallas_src>

<mosaic_0001>
#map = affine_map<(d0, d1) -> (0)>
#map1 = affine_map<(d0, d1) -> (0, 0)>
module attributes {stable_mosaic.version = 14 : i64} {
  func.func @_emb_body(%arg0: i32, %arg1: i32, %arg2: memref<819200xi32, #tpu.memory_space<hbm>>, %arg3: memref<129096x64xf32, #tpu.memory_space<hbm>>, %arg4: memref<819200x64xf32, #tpu.memory_space<hbm>>, %arg5: memref<25600xi32, #tpu.memory_space<vmem>>, %arg6: memref<3x512x64xf32, #tpu.memory_space<vmem>>, %arg7: memref<3x!tpu.dma_semaphore, #tpu.memory_space<semaphore_mem>>, %arg8: memref<3x!tpu.dma_semaphore, #tpu.memory_space<semaphore_mem>>) attributes {dimension_semantics = [#tpu.dimension_semantics<core_parallel>, #tpu.dimension_semantics<subcore_parallel>], iteration_bounds = array<i64: 2, 16>, scalar_prefetch = 0 : i64, scratch_operands = 4 : i64, tpu.core_type = #tpu.core_type<sc_vector_subcore>, window_params = [{transform_indices = #map}, {transform_indices = #map1}, {transform_indices = #map1}]} {
    %mul3A = arith.constant 2 : i32
    %mul3A_0 = arith.muli %arg1, %mul3A : i32
    %add3A = arith.addi %mul3A_0, %arg0 : i32
    %mul3A_1 = arith.constant 25600 : i32
    %mul3A_2 = arith.muli %add3A, %mul3A_1 : i32
    "tpu.region"() ({
      %run_scoped3A = tpu.sem_alloc : memref<!tpu.dma_semaphore, #tpu.memory_space<semaphore_mem>>
      %dma_start3A_134 = tpu.memref_slice %arg2[%mul3A_2] : memref<819200xi32, #tpu.memory_space<hbm>> -> memref<25600xi32, #tpu.memory_space<hbm>>
      %dma_start3A_135 = tpu.memref_slice %arg2[%mul3A_2] : memref<819200xi32, #tpu.memory_space<hbm>> -> memref<25600xi32, #tpu.memory_space<hbm>>
      tpu.enqueue_dma source(%dma_start3A_135 : memref<25600xi32, #tpu.memory_space<hbm>>) target(%arg5 : memref<25600xi32, #tpu.memory_space<vmem>>) target_semaphore(%run_scoped3A : memref<!tpu.dma_semaphore, #tpu.memory_space<semaphore_mem>>)
      %dma_wait3A_136 = tpu.memref_slice %arg2[%mul3A_2] : memref<819200xi32, #tpu.memory_space<hbm>> -> memref<25600xi32, #tpu.memory_space<hbm>>
      %dma_wait3A_137 = tpu.memref_slice %arg2[%mul3A_2] : memref<819200xi32, #tpu.memory_space<hbm>> -> memref<25600xi32, #tpu.memory_space<hbm>>
      tpu.wait_dma2 semaphore(%run_scoped3A : memref<!tpu.dma_semaphore, #tpu.memory_space<semaphore_mem>>) src(%dma_wait3A_137 : memref<25600xi32, #tpu.memory_space<hbm>>) dst(%arg5 : memref<25600xi32, #tpu.memory_space<vmem>>)
      tpu.yield
    }) : () -> ()
    %scan3A = arith.constant 0 : i32
    %scan3A_3 = arith.constant 0 : i32
    %scan3A_4 = arith.constant 1600 : i32
    %scan3A_5 = arith.addi %scan3A_3, %scan3A_4 : i32
    %scan3A_6 = arith.constant 1 : i32
    scf.for %scan3A_134 = %scan3A_3 to %scan3A_5 step %scan3A_6  : i32 {
      %mul3A_135 = arith.constant 16 : i32
      %mul3A_136 = arith.muli %scan3A_134, %mul3A_135 : i32
      %get3A = arith.index_cast %mul3A_136 : i32 to index
      %get3A_137 = tpu.vector_load %arg5[%get3A] {strides = array<i32>} : memref<25600xi32, #tpu.memory_space<vmem>>, vector<16xi32>,
      %ge3A = arith.constant 250000 : i32
      %ge3A_138 = vector.broadcast %ge3A : i32 to vector<16xi32>
      %ge3A_139 = arith.cmpi sge, %get3A_137, %ge3A_138 : vector<16xi32>
      %lt3A = arith.constant 375000 : i32
      %lt3A_140 = vector.broadcast %lt3A : i32 to vector<16xi32>
      %lt3A_141 = arith.cmpi slt, %get3A_137, %lt3A_140 : vector<16xi32>
      %and3A = arith.andi %ge3A_139, %lt3A_141 : vector<16xi1>
      %sub3A = arith.constant 250000 : i32
      %sub3A_142 = vector.broadcast %sub3A : i32 to vector<16xi32>
      %sub3A_143 = arith.subi %get3A_137, %sub3A_142 : vector<16xi32>
      %and3A_144 = arith.constant 4095 : i32
      %and3A_145 = vector.broadcast %and3A_144 : i32 to vector<16xi32>
      %and3A_146 = arith.andi %get3A_137, %and3A_145 : vector<16xi32>
      %add3A_147 = arith.constant 125000 : i32
      %add3A_148 = vector.broadcast %add3A_147 : i32 to vector<16xi32>
      %add3A_149 = arith.addi %add3A_148, %and3A_146 : vector<16xi32>
      %select_n3A = arith.select %and3A, %sub3A_143, %add3A_149 : vector<16xi1>, vector<16xi32>
      %mul3A_150 = arith.constant 16 : i32
      %mul3A_151 = arith.muli %scan3A_134, %mul3A_150 : i32
      %swap3A = arith.index_cast %mul3A_151 : i32 to index
      %swap3A_152 = tpu.vector_load %arg5[%swap3A] {strides = array<i32>} : memref<25600xi32, #tpu.memory_space<vmem>>, vector<16xi32>,
      tpu.vector_store %arg5[%swap3A], %select_n3A {strides = array<i32>} : memref<25600xi32, #tpu.memory_space<vmem>>, vector<16xi32>,
    }
    %scan3A_7 = arith.constant 1600 : i32
    %dma_start3A = arith.constant 0 : i32
    %dma_start3A_8 = arith.constant 0 : i32
    %dma_start3A_9 = arith.constant 0 : i32
    %dma_start3A_10 = arith.constant 0 : i32
    %dma_start3A_11 = tpu.memref_slice %arg6[%dma_start3A, %dma_start3A_9, %dma_start3A_10] : memref<3x512x64xf32, #tpu.memory_space<vmem>> -> memref<1x128x64xf32, #tpu.memory_space<vmem>>
    %dma_start3A_12 = tpu.memref_squeeze %dma_start3A_11 : memref<1x128x64xf32, #tpu.memory_space<vmem>> -> memref<128x64xf32, #tpu.memory_space<vmem>>
    %dma_start3A_13 = arith.constant 0 : i32
    %dma_start3A_14 = tpu.memref_slice %arg5[%dma_start3A_13] : memref<25600xi32, #tpu.memory_space<vmem>> -> memref<128xi32, #tpu.memory_space<vmem>>
    %dma_start3A_15 = arith.constant 0 : i32
    %dma_start3A_16 = arith.constant 0 : i32
    %dma_start3A_17 = tpu.memref_slice %arg3[%dma_start3A_15, %dma_start3A_16] : memref<129096x64xf32, #tpu.memory_space<hbm>> -> memref<129096x64xf32, #tpu.memory_space<hbm>>
    %dma_start3A_18 = tpu.memref_slice %arg7[%dma_start3A_8] : memref<3x!tpu.dma_semaphore, #tpu.memory_space<semaphore_mem>> -> memref<1x!tpu.dma_semaphore, #tpu.memory_space<semaphore_mem>>
    %dma_start3A_19 = tpu.memref_squeeze %dma_start3A_18 : memref<1x!tpu.dma_semaphore, #tpu.memory_space<semaphore_mem>> -> memref<!tpu.dma_semaphore, #tpu.memory_space<semaphore_mem>>
    tpu.enqueue_indirect_dma source(%dma_start3A_17 : memref<129096x64xf32, #tpu.memory_space<hbm>>) target(%dma_start3A_12 : memref<128x64xf32, #tpu.memory_space<vmem>>) offsets(%dma_start3A_14 : memref<128xi32, #tpu.memory_space<vmem>>) semaphore(%dma_start3A_19 : memref<!tpu.dma_semaphore, #tpu.memory_space<semaphore_mem>>)
    %dma_start3A_20 = arith.constant 0 : i32
    %dma_start3A_21 = arith.constant 0 : i32
    %dma_start3A_22 = arith.constant 128 : i32
    %dma_start3A_23 = arith.constant 0 : i32
    %dma_start3A_24 = tpu.memref_slice %arg6[%dma_start3A_20, %dma_start3A_22, %dma_start3A_23] : memref<3x512x64xf32, #tpu.memory_space<vmem>> -> memref<1x128x64xf32, #tpu.memory_space<vmem>>
    %dma_start3A_25 = tpu.memref_squeeze %dma_start3A_24 : memref<1x128x64xf32, #tpu.memory_space<vmem>> -> memref<128x64xf32, #tpu.memory_space<vmem>>
    %dma_start3A_26 = arith.constant 128 : i32
    %dma_start3A_27 = tpu.memref_slice %arg5[%dma_start3A_26] : memref<25600xi32, #tpu.memory_space<vmem>> -> memref<128xi32, #tpu.memory_space<vmem>>
    %dma_start3A_28 = arith.constant 0 : i32
    %dma_start3A_29 = arith.constant 0 : i32
    %dma_start3A_30 = tpu.memref_slice %arg3[%dma_start3A_28, %dma_start3A_29] : memref<129096x64xf32, #tpu.memory_space<hbm>> -> memref<129096x64xf32, #tpu.memory_space<hbm>>
    %dma_start3A_31 = tpu.memref_slice %arg7[%dma_start3A_21] : memref<3x!tpu.dma_semaphore, #tpu.memory_space<semaphore_mem>> -> memref<1x!tpu.dma_semaphore, #tpu.memory_space<semaphore_mem>>
    %dma_start3A_32 = tpu.memref_squeeze %dma_start3A_31 : memref<1x!tpu.dma_semaphore, #tpu.memory_space<semaphore_mem>> -> memref<!tpu.dma_semaphore, #tpu.memory_space<semaphore_mem>>
    tpu.enqueue_indirect_dma source(%dma_start3A_30 : memref<129096x64xf32, #tpu.memory_space<hbm>>) target(%dma_start3A_25 : memref<128x64xf32, #tpu.memory_space<vmem>>) offsets(%dma_start3A_27 : memref<128xi32, #tpu.memory_space<vmem>>) semaphore(%dma_start3A_32 : memref<!tpu.dma_semaphore, #tpu.memory_space<semaphore_mem>>)
    %dma_start3A_33 = arith.constant 0 : i32
    %dma_start3A_34 = arith.constant 0 : i32
    %dma_start3A_35 = arith.constant 256 : i32
    %dma_start3A_36 = arith.constant 0 : i32
    %dma_start3A_37 = tpu.memref_slice %arg6[%dma_start3A_33, %dma_start3A_35, %dma_start3A_36] : memref<3x512x64xf32, #tpu.memory_space<vmem>> -> memref<1x128x64xf32, #tpu.memory_space<vmem>>
    %dma_start3A_38 = tpu.memref_squeeze %dma_start3A_37 : memref<1x128x64xf32, #tpu.memory_space<vmem>> -> memref<128x64xf32, #tpu.memory_space<vmem>>
    %dma_start3A_39 = arith.constant 256 : i32
    %dma_start3A_40 = tpu.memref_slice %arg5[%dma_start3A_39] : memref<25600xi32, #tpu.memory_space<vmem>> -> memref<128xi32, #tpu.memory_space<vmem>>
    %dma_start3A_41 = arith.constant 0 : i32
    %dma_start3A_42 = arith.constant 0 : i32
    %dma_start3A_43 = tpu.memref_slice %arg3[%dma_start3A_41, %dma_start3A_42] : memref<129096x64xf32, #tpu.memory_space<hbm>> -> memref<129096x64xf32, #tpu.memory_space<hbm>>
    %dma_start3A_44 = tpu.memref_slice %arg7[%dma_start3A_34] : memref<3x!tpu.dma_semaphore, #tpu.memory_space<semaphore_mem>> -> memref<1x!tpu.dma_semaphore, #tpu.memory_space<semaphore_mem>>
    %dma_start3A_45 = tpu.memref_squeeze %dma_start3A_44 : memref<1x!tpu.dma_semaphore, #tpu.memory_space<semaphore_mem>> -> memref<!tpu.dma_semaphore, #tpu.memory_space<semaphore_mem>>
    tpu.enqueue_indirect_dma source(%dma_start3A_43 : memref<129096x64xf32, #tpu.memory_space<hbm>>) target(%dma_start3A_38 : memref<128x64xf32, #tpu.memory_space<vmem>>) offsets(%dma_start3A_40 : memref<128xi32, #tpu.memory_space<vmem>>) semaphore(%dma_start3A_45 : memref<!tpu.dma_semaphore, #tpu.memory_space<semaphore_mem>>)
    %dma_start3A_46 = arith.constant 0 : i32
    %dma_start3A_47 = arith.constant 0 : i32
    %dma_start3A_48 = arith.constant 384 : i32
    %dma_start3A_49 = arith.constant 0 : i32
    %dma_start3A_50 = tpu.memref_slice %arg6[%dma_start3A_46, %dma_start3A_48, %dma_start3A_49] : memref<3x512x64xf32, #tpu.memory_space<vmem>> -> memref<1x128x64xf32, #tpu.memory_space<vmem>>
    %dma_start3A_51 = tpu.memref_squeeze %dma_start3A_50 : memref<1x128x64xf32, #tpu.memory_space<vmem>> -> memref<128x64xf32, #tpu.memory_space<vmem>>
    %dma_start3A_52 = arith.constant 384 : i32
    %dma_start3A_53 = tpu.memref_slice %arg5[%dma_start3A_52] : memref<25600xi32, #tpu.memory_space<vmem>> -> memref<128xi32, #tpu.memory_space<vmem>>
    %dma_start3A_54 = arith.constant 0 : i32
    %dma_start3A_55 = arith.constant 0 : i32
    %dma_start3A_56 = tpu.memref_slice %arg3[%dma_start3A_54, %dma_start3A_55] : memref<129096x64xf32, #tpu.memory_space<hbm>> -> memref<129096x64xf32, #tpu.memory_space<hbm>>
    %dma_start3A_57 = tpu.memref_slice %arg7[%dma_start3A_47] : memref<3x!tpu.dma_semaphore, #tpu.memory_space<semaphore_mem>> -> memref<1x!tpu.dma_semaphore, #tpu.memory_space<semaphore_mem>>
    %dma_start3A_58 = tpu.memref_squeeze %dma_start3A_57 : memref<1x!tpu.dma_semaphore, #tpu.memory_space<semaphore_mem>> -> memref<!tpu.dma_semaphore, #tpu.memory_space<semaphore_mem>>
    tpu.enqueue_indirect_dma source(%dma_start3A_56 : memref<129096x64xf32, #tpu.memory_space<hbm>>) target(%dma_start3A_51 : memref<128x64xf32, #tpu.memory_space<vmem>>) offsets(%dma_start3A_53 : memref<128xi32, #tpu.memory_space<vmem>>) semaphore(%dma_start3A_58 : memref<!tpu.dma_semaphore, #tpu.memory_space<semaphore_mem>>)
    %dma_start3A_59 = arith.constant 1 : i32
    %dma_start3A_60 = arith.constant 1 : i32
    %dma_start3A_61 = arith.constant 0 : i32
    %dma_start3A_62 = arith.constant 0 : i32
    %dma_start3A_63 = tpu.memref_slice %arg6[%dma_start3A_59, %dma_start3A_61, %dma_start3A_62] : memref<3x512x64xf32, #tpu.memory_space<vmem>> -> memref<1x128x64xf32, #tpu.memory_space<vmem>>
    %dma_start3A_64 = tpu.memref_squeeze %dma_start3A_63 : memref<1x128x64xf32, #tpu.memory_space<vmem>> -> memref<128x64xf32, #tpu.memory_space<vmem>>
    %dma_start3A_65 = arith.constant 512 : i32
    %dma_start3A_66 = tpu.memref_slice %arg5[%dma_start3A_65] : memref<25600xi32, #tpu.memory_space<vmem>> -> memref<128xi32, #tpu.memory_space<vmem>>
    %dma_start3A_67 = arith.constant 0 : i32
    %dma_start3A_68 = arith.constant 0 : i32
    %dma_start3A_69 = tpu.memref_slice %arg3[%dma_start3A_67, %dma_start3A_68] : memref<129096x64xf32, #tpu.memory_space<hbm>> -> memref<129096x64xf32, #tpu.memory_space<hbm>>
    %dma_start3A_70 = tpu.memref_slice %arg7[%dma_start3A_60] : memref<3x!tpu.dma_semaphore, #tpu.memory_space<semaphore_mem>> -> memref<1x!tpu.dma_semaphore, #tpu.memory_space<semaphore_mem>>
    %dma_start3A_71 = tpu.memref_squeeze %dma_start3A_70 : memref<1x!tpu.dma_semaphore, #tpu.memory_space<semaphore_mem>> -> memref<!tpu.dma_semaphore, #tpu.memory_space<semaphore_mem>>
    tpu.enqueue_indirect_dma source(%dma_start3A_69 : memref<129096x64xf32, #tpu.memory_space<hbm>>) target(%dma_start3A_64 : memref<128x64xf32, #tpu.memory_space<vmem>>) offsets(%dma_start3A_66 : memref<128xi32, #tpu.memory_space<vmem>>) semaphore(%dma_start3A_71 : memref<!tpu.dma_semaphore, #tpu.memory_space<semaphore_mem>>)
    %dma_start3A_72 = arith.constant 1 : i32
    %dma_start3A_73 = arith.constant 1 : i32
    %dma_start3A_74 = arith.constant 128 : i32
    %dma_start3A_75 = arith.constant 0 : i32
    %dma_start3A_76 = tpu.memref_slice %arg6[%dma_start3A_72, %dma_start3A_74, %dma_start3A_75] : memref<3x512x64xf32, #tpu.memory_space<vmem>> -> memref<1x128x64xf32, #tpu.memory_space<vmem>>
    %dma_start3A_77 = tpu.memref_squeeze %dma_start3A_76 : memref<1x128x64xf32, #tpu.memory_space<vmem>> -> memref<128x64xf32, #tpu.memory_space<vmem>>
    %dma_start3A_78 = arith.constant 640 : i32
    %dma_start3A_79 = tpu.memref_slice %arg5[%dma_start3A_78] : memref<25600xi32, #tpu.memory_space<vmem>> -> memref<128xi32, #tpu.memory_space<vmem>>
    %dma_start3A_80 = arith.constant 0 : i32
    %dma_start3A_81 = arith.constant 0 : i32
    %dma_start3A_82 = tpu.memref_slice %arg3[%dma_start3A_80, %dma_start3A_81] : memref<129096x64xf32, #tpu.memory_space<hbm>> -> memref<129096x64xf32, #tpu.memory_space<hbm>>
    %dma_start3A_83 = tpu.memref_slice %arg7[%dma_start3A_73] : memref<3x!tpu.dma_semaphore, #tpu.memory_space<semaphore_mem>> -> memref<1x!tpu.dma_semaphore, #tpu.memory_space<semaphore_mem>>
    %dma_start3A_84 = tpu.memref_squeeze %dma_start3A_83 : memref<1x!tpu.dma_semaphore, #tpu.memory_space<semaphore_mem>> -> memref<!tpu.dma_semaphore, #tpu.memory_space<semaphore_mem>>
    tpu.enqueue_indirect_dma source(%dma_start3A_82 : memref<129096x64xf32, #tpu.memory_space<hbm>>) target(%dma_start3A_77 : memref<128x64xf32, #tpu.memory_space<vmem>>) offsets(%dma_start3A_79 : memref<128xi32, #tpu.memory_space<vmem>>) semaphore(%dma_start3A_84 : memref<!tpu.dma_semaphore, #tpu.memory_space<semaphore_mem>>)
    %dma_start3A_85 = arith.constant 1 : i32
    %dma_start3A_86 = arith.constant 1 : i32
    %dma_start3A_87 = arith.constant 256 : i32
    %dma_start3A_88 = arith.constant 0 : i32
    %dma_start3A_89 = tpu.memref_slice %arg6[%dma_start3A_85, %dma_start3A_87, %dma_start3A_88] : memref<3x512x64xf32, #tpu.memory_space<vmem>> -> memref<1x128x64xf32, #tpu.memory_space<vmem>>
    %dma_start3A_90 = tpu.memref_squeeze %dma_start3A_89 : memref<1x128x64xf32, #tpu.memory_space<vmem>> -> memref<128x64xf32, #tpu.memory_space<vmem>>
    %dma_start3A_91 = arith.constant 768 : i32
    %dma_start3A_92 = tpu.memref_slice %arg5[%dma_start3A_91] : memref<25600xi32, #tpu.memory_space<vmem>> -> memref<128xi32, #tpu.memory_space<vmem>>
    %dma_start3A_93 = arith.constant 0 : i32
    %dma_start3A_94 = arith.constant 0 : i32
    %dma_start3A_95 = tpu.memref_slice %arg3[%dma_start3A_93, %dma_start3A_94] : memref<129096x64xf32, #tpu.memory_space<hbm>> -> memref<129096x64xf32, #tpu.memory_space<hbm>>
    %dma_start3A_96 = tpu.memref_slice %arg7[%dma_start3A_86] : memref<3x!tpu.dma_semaphore, #tpu.memory_space<semaphore_mem>> -> memref<1x!tpu.dma_semaphore, #tpu.memory_space<semaphore_mem>>
    %dma_start3A_97 = tpu.memref_squeeze %dma_start3A_96 : memref<1x!tpu.dma_semaphore, #tpu.memory_space<semaphore_mem>> -> memref<!tpu.dma_semaphore, #tpu.memory_space<semaphore_mem>>
    tpu.enqueue_indirect_dma source(%dma_start3A_95 : memref<129096x64xf32, #tpu.memory_space<hbm>>) target(%dma_start3A_90 : memref<128x64xf32, #tpu.memory_space<vmem>>) offsets(%dma_start3A_92 : memref<128xi32, #tpu.memory_space<vmem>>) semaphore(%dma_start3A_97 : memref<!tpu.dma_semaphore, #tpu.memory_space<semaphore_mem>>)
    %dma_start3A_98 = arith.constant 1 : i32
    %dma_start3A_99 = arith.constant 1 : i32
    %dma_start3A_100 = arith.constant 384 : i32
    %dma_start3A_101 = arith.constant 0 : i32
    %dma_start3A_102 = tpu.memref_slice %arg6[%dma_start3A_98, %dma_start3A_100, %dma_start3A_101] : memref<3x512x64xf32, #tpu.memory_space<vmem>> -> memref<1x128x64xf32, #tpu.memory_space<vmem>>
    %dma_start3A_103 = tpu.memref_squeeze %dma_start3A_102 : memref<1x128x64xf32, #tpu.memory_space<vmem>> -> memref<128x64xf32, #tpu.memory_space<vmem>>
    %dma_start3A_104 = arith.constant 896 : i32
    %dma_start3A_105 = tpu.memref_slice %arg5[%dma_start3A_104] : memref<25600xi32, #tpu.memory_space<vmem>> -> memref<128xi32, #tpu.memory_space<vmem>>
    %dma_start3A_106 = arith.constant 0 : i32
    %dma_start3A_107 = arith.constant 0 : i32
    %dma_start3A_108 = tpu.memref_slice %arg3[%dma_start3A_106, %dma_start3A_107] : memref<129096x64xf32, #tpu.memory_space<hbm>> -> memref<129096x64xf32, #tpu.memory_space<hbm>>
    %dma_start3A_109 = tpu.memref_slice %arg7[%dma_start3A_99] : memref<3x!tpu.dma_semaphore, #tpu.memory_space<semaphore_mem>> -> memref<1x!tpu.dma_semaphore, #tpu.memory_space<semaphore_mem>>
    %dma_start3A_110 = tpu.memref_squeeze %dma_start3A_109 : memref<1x!tpu.dma_semaphore, #tpu.memory_space<semaphore_mem>> -> memref<!tpu.dma_semaphore, #tpu.memory_space<semaphore_mem>>
    tpu.enqueue_indirect_dma source(%dma_start3A_108 : memref<129096x64xf32, #tpu.memory_space<hbm>>) target(%dma_start3A_103 : memref<128x64xf32, #tpu.memory_space<vmem>>) offsets(%dma_start3A_105 : memref<128xi32, #tpu.memory_space<vmem>>) semaphore(%dma_start3A_110 : memref<!tpu.dma_semaphore, #tpu.memory_space<semaphore_mem>>)
    %scan3A_111 = arith.constant 0 : i32
    %scan3A_112 = arith.constant 0 : i32
    %scan3A_113 = arith.constant 50 : i32
    %scan3A_114 = arith.addi %scan3A_112, %scan3A_113 : i32
    %scan3A_115 = arith.constant 1 : i32
    scf.for %scan3A_134 = %scan3A_112 to %scan3A_114 step %scan3A_115  : i32 {
      %gt3A = arith.constant 0 : i32
      %gt3A_135 = arith.cmpi sgt, %scan3A_134, %gt3A : i32
      %convert_element_type3A = arith.extui %gt3A_135 : i1 to i32
      %cond3A = arith.constant 0 : i32
      %cond3A_136 = arith.cmpi ne, %convert_element_type3A, %cond3A : i32
      scf.if %cond3A_136 {
        %sub3A = arith.constant 1 : i32
        %sub3A_242 = arith.subi %scan3A_134, %sub3A : i32
        %sub3A_243 = arith.constant 1 : i32
        %sub3A_244 = arith.subi %scan3A_134, %sub3A_243 : i32
        %jit3A_245 = arith.constant 3 : i32
        %eq3A_246 = arith.constant 0 : i32
        %eq3A_247 = arith.cmpi eq, %jit3A_245, %eq3A_246 : i32
        %jit3A_248 = arith.constant 1 : i32
        %select_n3A_249 = arith.select %eq3A_247, %jit3A_248, %jit3A_245 : i32
        %rem3A_250 = arith.remsi %sub3A_244, %select_n3A_249 : i32
        %ne3A_251 = arith.constant 0 : i32
        %ne3A_252 = arith.cmpi ne, %rem3A_250, %ne3A_251 : i32
        %lt3A_253 = arith.constant 0 : i32
        %lt3A_254 = arith.cmpi slt, %rem3A_250, %lt3A_253 : i32
        %lt3A_255 = arith.constant 0 : i32
        %lt3A_256 = arith.cmpi slt, %select_n3A_249, %lt3A_255 : i32
        %ne3A_257 = arith.xori %lt3A_254, %lt3A_256 : i1
        %and3A_258 = arith.andi %ne3A_257, %ne3A_252 : i1
        %add3A_259 = arith.addi %rem3A_250, %select_n3A_249 : i32
        %select_n3A_260 = arith.select %and3A_258, %add3A_259, %rem3A_250 : i32
        %mul3A_261 = arith.constant 512 : i32
        %mul3A_262 = arith.muli %sub3A_242, %mul3A_261 : i32
        %add3A_263 = arith.addi %mul3A_2, %mul3A_262 : i32
        %dma_wait3A_264 = arith.constant 0 : i32
        %dma_wait3A_265 = arith.constant 0 : i32
        %dma_wait3A_266 = tpu.memref_slice %arg6[%select_n3A_260, %dma_wait3A_264, %dma_wait3A_265] : memref<3x512x64xf32, #tpu.memory_space<vmem>> -> memref<1x512x64xf32, #tpu.memory_space<vmem>>
        %dma_wait3A_267 = tpu.memref_squeeze %dma_wait3A_266 : memref<1x512x64xf32, #tpu.memory_space<vmem>> -> memref<512x64xf32, #tpu.memory_space<vmem>>
        %dma_wait3A_268 = arith.constant 0 : i32
        %dma_wait3A_269 = tpu.memref_slice %arg4[%add3A_263, %dma_wait3A_268] : memref<819200x64xf32, #tpu.memory_space<hbm>> -> memref<512x64xf32, #tpu.memory_space<hbm>>
        %dma_wait3A_270 = tpu.memref_slice %arg8[%select_n3A_260] : memref<3x!tpu.dma_semaphore, #tpu.memory_space<semaphore_mem>> -> memref<1x!tpu.dma_semaphore, #tpu.memory_space<semaphore_mem>>
        %dma_wait3A_271 = tpu.memref_squeeze %dma_wait3A_270 : memref<1x!tpu.dma_semaphore, #tpu.memory_space<semaphore_mem>> -> memref<!tpu.dma_semaphore, #tpu.memory_space<semaphore_mem>>
        %dma_wait3A_272 = arith.constant 0 : i32
        %dma_wait3A_273 = tpu.memref_slice %arg4[%add3A_263, %dma_wait3A_272] : memref<819200x64xf32, #tpu.memory_space<hbm>> -> memref<512x64xf32, #tpu.memory_space<hbm>>
        %dma_wait3A_274 = arith.constant 0 : i32
        %dma_wait3A_275 = arith.constant 0 : i32
        %dma_wait3A_276 = tpu.memref_slice %arg6[%select_n3A_260, %dma_wait3A_274, %dma_wait3A_275] : memref<3x512x64xf32, #tpu.memory_space<vmem>> -> memref<1x512x64xf32, #tpu.memory_space<vmem>>
        %dma_wait3A_277 = tpu.memref_squeeze %dma_wait3A_276 : memref<1x512x64xf32, #tpu.memory_space<vmem>> -> memref<512x64xf32, #tpu.memory_space<vmem>>
        tpu.wait_dma2 semaphore(%dma_wait3A_271 : memref<!tpu.dma_semaphore, #tpu.memory_space<semaphore_mem>>) src(%dma_wait3A_277 : memref<512x64xf32, #tpu.memory_space<vmem>>) dst(%dma_wait3A_273 : memref<512x64xf32, #tpu.memory_space<hbm>>)
      } else {
      }
      %add3A_137 = arith.constant 2 : i32
      %add3A_138 = arith.addi %scan3A_134, %add3A_137 : i32
      %lt3A = arith.constant 50 : i32
      %lt3A_139 = arith.cmpi slt, %add3A_138, %lt3A : i32
      %convert_element_type3A_140 = arith.extui %lt3A_139 : i1 to i32
      %cond3A_141 = arith.constant 0 : i32
      %cond3A_142 = arith.cmpi ne, %convert_element_type3A_140, %cond3A_141 : i32
      scf.if %cond3A_142 {
        %add3A_242 = arith.constant 2 : i32
        %add3A_243 = arith.addi %scan3A_134, %add3A_242 : i32
        %add3A_244 = arith.constant 2 : i32
        %add3A_245 = arith.addi %scan3A_134, %add3A_244 : i32
        %jit3A_246 = arith.constant 3 : i32
        %eq3A_247 = arith.constant 0 : i32
        %eq3A_248 = arith.cmpi eq, %jit3A_246, %eq3A_247 : i32
        %jit3A_249 = arith.constant 1 : i32
        %select_n3A_250 = arith.select %eq3A_248, %jit3A_249, %jit3A_246 : i32
        %rem3A_251 = arith.remsi %add3A_245, %select_n3A_250 : i32
        %ne3A_252 = arith.constant 0 : i32
        %ne3A_253 = arith.cmpi ne, %rem3A_251, %ne3A_252 : i32
        %lt3A_254 = arith.constant 0 : i32
        %lt3A_255 = arith.cmpi slt, %rem3A_251, %lt3A_254 : i32
        %lt3A_256 = arith.constant 0 : i32
        %lt3A_257 = arith.cmpi slt, %select_n3A_250, %lt3A_256 : i32
        %ne3A_258 = arith.xori %lt3A_255, %lt3A_257 : i1
        %and3A_259 = arith.andi %ne3A_258, %ne3A_253 : i1
        %add3A_260 = arith.addi %rem3A_251, %select_n3A_250 : i32
        %select_n3A_261 = arith.select %and3A_259, %add3A_260, %rem3A_251 : i32
        %mul3A_262 = arith.constant 512 : i32
        %mul3A_263 = arith.muli %add3A_243, %mul3A_262 : i32
        %add3A_264 = arith.constant 0 : i32
        %add3A_265 = arith.addi %mul3A_263, %add3A_264 : i32
        %mul3A_266 = arith.constant 512 : i32
        %mul3A_267 = arith.muli %add3A_243, %mul3A_266 : i32
        %add3A_268 = arith.constant 128 : i32
        %add3A_269 = arith.addi %mul3A_267, %add3A_268 : i32
        %mul3A_270 = arith.constant 512 : i32
        %mul3A_271 = arith.muli %add3A_243, %mul3A_270 : i32
        %add3A_272 = arith.constant 256 : i32
        %add3A_273 = arith.addi %mul3A_271, %add3A_272 : i32
        %mul3A_274 = arith.constant 512 : i32
        %mul3A_275 = arith.muli %add3A_243, %mul3A_274 : i32
        %add3A_276 = arith.constant 384 : i32
        %add3A_277 = arith.addi %mul3A_275, %add3A_276 : i32
        %dma_start3A_278 = arith.constant 0 : i32
        %dma_start3A_279 = arith.constant 0 : i32
        %dma_start3A_280 = tpu.memref_slice %arg6[%select_n3A_261, %dma_start3A_278, %dma_start3A_279] : memref<3x512x64xf32, #tpu.memory_space<vmem>> -> memref<1x128x64xf32, #tpu.memory_space<vmem>>
        %dma_start3A_281 = tpu.memref_squeeze %dma_start3A_280 : memref<1x128x64xf32, #tpu.memory_space<vmem>> -> memref<128x64xf32, #tpu.memory_space<vmem>>
        %dma_start3A_282 = tpu.memref_slice %arg5[%add3A_265] : memref<25600xi32, #tpu.memory_space<vmem>> -> memref<128xi32, #tpu.memory_space<vmem>>
        %dma_start3A_283 = arith.constant 0 : i32
        %dma_start3A_284 = arith.constant 0 : i32
        %dma_start3A_285 = tpu.memref_slice %arg3[%dma_start3A_283, %dma_start3A_284] : memref<129096x64xf32, #tpu.memory_space<hbm>> -> memref<129096x64xf32, #tpu.memory_space<hbm>>
        %dma_start3A_286 = tpu.memref_slice %arg7[%select_n3A_261] : memref<3x!tpu.dma_semaphore, #tpu.memory_space<semaphore_mem>> -> memref<1x!tpu.dma_semaphore, #tpu.memory_space<semaphore_mem>>
        %dma_start3A_287 = tpu.memref_squeeze %dma_start3A_286 : memref<1x!tpu.dma_semaphore, #tpu.memory_space<semaphore_mem>> -> memref<!tpu.dma_semaphore, #tpu.memory_space<semaphore_mem>>
        tpu.enqueue_indirect_dma source(%dma_start3A_285 : memref<129096x64xf32, #tpu.memory_space<hbm>>) target(%dma_start3A_281 : memref<128x64xf32, #tpu.memory_space<vmem>>) offsets(%dma_start3A_282 : memref<128xi32, #tpu.memory_space<vmem>>) semaphore(%dma_start3A_287 : memref<!tpu.dma_semaphore, #tpu.memory_space<semaphore_mem>>)
        %dma_start3A_288 = arith.constant 128 : i32
        %dma_start3A_289 = arith.constant 0 : i32
        %dma_start3A_290 = tpu.memref_slice %arg6[%select_n3A_261, %dma_start3A_288, %dma_start3A_289] : memref<3x512x64xf32, #tpu.memory_space<vmem>> -> memref<1x128x64xf32, #tpu.memory_space<vmem>>
        %dma_start3A_291 = tpu.memref_squeeze %dma_start3A_290 : memref<1x128x64xf32, #tpu.memory_space<vmem>> -> memref<128x64xf32, #tpu.memory_space<vmem>>
        %dma_start3A_292 = tpu.memref_slice %arg5[%add3A_269] : memref<25600xi32, #tpu.memory_space<vmem>> -> memref<128xi32, #tpu.memory_space<vmem>>
        %dma_start3A_293 = arith.constant 0 : i32
        %dma_start3A_294 = arith.constant 0 : i32
        %dma_start3A_295 = tpu.memref_slice %arg3[%dma_start3A_293, %dma_start3A_294] : memref<129096x64xf32, #tpu.memory_space<hbm>> -> memref<129096x64xf32, #tpu.memory_space<hbm>>
        %dma_start3A_296 = tpu.memref_slice %arg7[%select_n3A_261] : memref<3x!tpu.dma_semaphore, #tpu.memory_space<semaphore_mem>> -> memref<1x!tpu.dma_semaphore, #tpu.memory_space<semaphore_mem>>
        %dma_start3A_297 = tpu.memref_squeeze %dma_start3A_296 : memref<1x!tpu.dma_semaphore, #tpu.memory_space<semaphore_mem>> -> memref<!tpu.dma_semaphore, #tpu.memory_space<semaphore_mem>>
        tpu.enqueue_indirect_dma source(%dma_start3A_295 : memref<129096x64xf32, #tpu.memory_space<hbm>>) target(%dma_start3A_291 : memref<128x64xf32, #tpu.memory_space<vmem>>) offsets(%dma_start3A_292 : memref<128xi32, #tpu.memory_space<vmem>>) semaphore(%dma_start3A_297 : memref<!tpu.dma_semaphore, #tpu.memory_space<semaphore_mem>>)
        %dma_start3A_298 = arith.constant 256 : i32
        %dma_start3A_299 = arith.constant 0 : i32
        %dma_start3A_300 = tpu.memref_slice %arg6[%select_n3A_261, %dma_start3A_298, %dma_start3A_299] : memref<3x512x64xf32, #tpu.memory_space<vmem>> -> memref<1x128x64xf32, #tpu.memory_space<vmem>>
        %dma_start3A_301 = tpu.memref_squeeze %dma_start3A_300 : memref<1x128x64xf32, #tpu.memory_space<vmem>> -> memref<128x64xf32, #tpu.memory_space<vmem>>
        %dma_start3A_302 = tpu.memref_slice %arg5[%add3A_273] : memref<25600xi32, #tpu.memory_space<vmem>> -> memref<128xi32, #tpu.memory_space<vmem>>
        %dma_start3A_303 = arith.constant 0 : i32
        %dma_start3A_304 = arith.constant 0 : i32
        %dma_start3A_305 = tpu.memref_slice %arg3[%dma_start3A_303, %dma_start3A_304] : memref<129096x64xf32, #tpu.memory_space<hbm>> -> memref<129096x64xf32, #tpu.memory_space<hbm>>
        %dma_start3A_306 = tpu.memref_slice %arg7[%select_n3A_261] : memref<3x!tpu.dma_semaphore, #tpu.memory_space<semaphore_mem>> -> memref<1x!tpu.dma_semaphore, #tpu.memory_space<semaphore_mem>>
        %dma_start3A_307 = tpu.memref_squeeze %dma_start3A_306 : memref<1x!tpu.dma_semaphore, #tpu.memory_space<semaphore_mem>> -> memref<!tpu.dma_semaphore, #tpu.memory_space<semaphore_mem>>
        tpu.enqueue_indirect_dma source(%dma_start3A_305 : memref<129096x64xf32, #tpu.memory_space<hbm>>) target(%dma_start3A_301 : memref<128x64xf32, #tpu.memory_space<vmem>>) offsets(%dma_start3A_302 : memref<128xi32, #tpu.memory_space<vmem>>) semaphore(%dma_start3A_307 : memref<!tpu.dma_semaphore, #tpu.memory_space<semaphore_mem>>)
        %dma_start3A_308 = arith.constant 384 : i32
        %dma_start3A_309 = arith.constant 0 : i32
        %dma_start3A_310 = tpu.memref_slice %arg6[%select_n3A_261, %dma_start3A_308, %dma_start3A_309] : memref<3x512x64xf32, #tpu.memory_space<vmem>> -> memref<1x128x64xf32, #tpu.memory_space<vmem>>
        %dma_start3A_311 = tpu.memref_squeeze %dma_start3A_310 : memref<1x128x64xf32, #tpu.memory_space<vmem>> -> memref<128x64xf32, #tpu.memory_space<vmem>>
        %dma_start3A_312 = tpu.memref_slice %arg5[%add3A_277] : memref<25600xi32, #tpu.memory_space<vmem>> -> memref<128xi32, #tpu.memory_space<vmem>>
        %dma_start3A_313 = arith.constant 0 : i32
        %dma_start3A_314 = arith.constant 0 : i32
        %dma_start3A_315 = tpu.memref_slice %arg3[%dma_start3A_313, %dma_start3A_314] : memref<129096x64xf32, #tpu.memory_space<hbm>> -> memref<129096x64xf32, #tpu.memory_space<hbm>>
        %dma_start3A_316 = tpu.memref_slice %arg7[%select_n3A_261] : memref<3x!tpu.dma_semaphore, #tpu.memory_space<semaphore_mem>> -> memref<1x!tpu.dma_semaphore, #tpu.memory_space<semaphore_mem>>
        %dma_start3A_317 = tpu.memref_squeeze %dma_start3A_316 : memref<1x!tpu.dma_semaphore, #tpu.memory_space<semaphore_mem>> -> memref<!tpu.dma_semaphore, #tpu.memory_space<semaphore_mem>>
        tpu.enqueue_indirect_dma source(%dma_start3A_315 : memref<129096x64xf32, #tpu.memory_space<hbm>>) target(%dma_start3A_311 : memref<128x64xf32, #tpu.memory_space<vmem>>) offsets(%dma_start3A_312 : memref<128xi32, #tpu.memory_space<vmem>>) semaphore(%dma_start3A_317 : memref<!tpu.dma_semaphore, #tpu.memory_space<semaphore_mem>>)
      } else {
      }
      %jit3A = arith.constant 3 : i32
      %eq3A = arith.constant 0 : i32
      %eq3A_143 = arith.cmpi eq, %jit3A, %eq3A : i32
      %jit3A_144 = arith.constant 1 : i32
      %select_n3A = arith.select %eq3A_143, %jit3A_144, %jit3A : i32
      %rem3A = arith.remsi %scan3A_134, %select_n3A : i32
      %ne3A = arith.constant 0 : i32
      %ne3A_145 = arith.cmpi ne, %rem3A, %ne3A : i32
      %lt3A_146 = arith.constant 0 : i32
      %lt3A_147 = arith.cmpi slt, %rem3A, %lt3A_146 : i32
      %lt3A_148 = arith.constant 0 : i32
      %lt3A_149 = arith.cmpi slt, %select_n3A, %lt3A_148 : i32
      %ne3A_150 = arith.xori %lt3A_147, %lt3A_149 : i1
      %and3A = arith.andi %ne3A_150, %ne3A_145 : i1
      %add3A_151 = arith.addi %rem3A, %select_n3A : i32
      %select_n3A_152 = arith.select %and3A, %add3A_151, %rem3A : i32
      %mul3A_153 = arith.constant 512 : i32
      %mul3A_154 = arith.muli %scan3A_134, %mul3A_153 : i32
      %add3A_155 = arith.constant 0 : i32
      %add3A_156 = arith.addi %mul3A_154, %add3A_155 : i32
      %mul3A_157 = arith.constant 512 : i32
      %mul3A_158 = arith.muli %scan3A_134, %mul3A_157 : i32
      %add3A_159 = arith.constant 128 : i32
      %add3A_160 = arith.addi %mul3A_158, %add3A_159 : i32
      %mul3A_161 = arith.constant 512 : i32
      %mul3A_162 = arith.muli %scan3A_134, %mul3A_161 : i32
      %add3A_163 = arith.constant 256 : i32
      %add3A_164 = arith.addi %mul3A_162, %add3A_163 : i32
      %mul3A_165 = arith.constant 512 : i32
      %mul3A_166 = arith.muli %scan3A_134, %mul3A_165 : i32
      %add3A_167 = arith.constant 384 : i32
      %add3A_168 = arith.addi %mul3A_166, %add3A_167 : i32
      %dma_wait3A_169 = arith.constant 0 : i32
      %dma_wait3A_170 = arith.constant 0 : i32
      %dma_wait3A_171 = tpu.memref_slice %arg6[%select_n3A_152, %dma_wait3A_169, %dma_wait3A_170] : memref<3x512x64xf32, #tpu.memory_space<vmem>> -> memref<1x128x64xf32, #tpu.memory_space<vmem>>
      %dma_wait3A_172 = tpu.memref_squeeze %dma_wait3A_171 : memref<1x128x64xf32, #tpu.memory_space<vmem>> -> memref<128x64xf32, #tpu.memory_space<vmem>>
      %dma_wait3A_173 = tpu.memref_slice %arg5[%add3A_156] : memref<25600xi32, #tpu.memory_space<vmem>> -> memref<128xi32, #tpu.memory_space<vmem>>
      %dma_wait3A_174 = arith.constant 0 : i32
      %dma_wait3A_175 = arith.constant 0 : i32
      %dma_wait3A_176 = tpu.memref_slice %arg3[%dma_wait3A_174, %dma_wait3A_175] : memref<129096x64xf32, #tpu.memory_space<hbm>> -> memref<129096x64xf32, #tpu.memory_space<hbm>>
      %dma_wait3A_177 = tpu.memref_slice %arg7[%select_n3A_152] : memref<3x!tpu.dma_semaphore, #tpu.memory_space<semaphore_mem>> -> memref<1x!tpu.dma_semaphore, #tpu.memory_space<semaphore_mem>>
      %dma_wait3A_178 = tpu.memref_squeeze %dma_wait3A_177 : memref<1x!tpu.dma_semaphore, #tpu.memory_space<semaphore_mem>> -> memref<!tpu.dma_semaphore, #tpu.memory_space<semaphore_mem>>
      tpu.wait_indirect_dma semaphore(%dma_wait3A_178 : memref<!tpu.dma_semaphore, #tpu.memory_space<semaphore_mem>>) src(%dma_wait3A_176 : memref<129096x64xf32, #tpu.memory_space<hbm>>) dst(%dma_wait3A_172 : memref<128x64xf32, #tpu.memory_space<vmem>>)
      %dma_wait3A_179 = arith.constant 128 : i32
      %dma_wait3A_180 = arith.constant 0 : i32
      %dma_wait3A_181 = tpu.memref_slice %arg6[%select_n3A_152, %dma_wait3A_179, %dma_wait3A_180] : memref<3x512x64xf32, #tpu.memory_space<vmem>> -> memref<1x128x64xf32, #tpu.memory_space<vmem>>
      %dma_wait3A_182 = tpu.memref_squeeze %dma_wait3A_181 : memref<1x128x64xf32, #tpu.memory_space<vmem>> -> memref<128x64xf32, #tpu.memory_space<vmem>>
      %dma_wait3A_183 = tpu.memref_slice %arg5[%add3A_160] : memref<25600xi32, #tpu.memory_space<vmem>> -> memref<128xi32, #tpu.memory_space<vmem>>
      %dma_wait3A_184 = arith.constant 0 : i32
      %dma_wait3A_185 = arith.constant 0 : i32
      %dma_wait3A_186 = tpu.memref_slice %arg3[%dma_wait3A_184, %dma_wait3A_185] : memref<129096x64xf32, #tpu.memory_space<hbm>> -> memref<129096x64xf32, #tpu.memory_space<hbm>>
      %dma_wait3A_187 = tpu.memref_slice %arg7[%select_n3A_152] : memref<3x!tpu.dma_semaphore, #tpu.memory_space<semaphore_mem>> -> memref<1x!tpu.dma_semaphore, #tpu.memory_space<semaphore_mem>>
      %dma_wait3A_188 = tpu.memref_squeeze %dma_wait3A_187 : memref<1x!tpu.dma_semaphore, #tpu.memory_space<semaphore_mem>> -> memref<!tpu.dma_semaphore, #tpu.memory_space<semaphore_mem>>
      tpu.wait_indirect_dma semaphore(%dma_wait3A_188 : memref<!tpu.dma_semaphore, #tpu.memory_space<semaphore_mem>>) src(%dma_wait3A_186 : memref<129096x64xf32, #tpu.memory_space<hbm>>) dst(%dma_wait3A_182 : memref<128x64xf32, #tpu.memory_space<vmem>>)
      %dma_wait3A_189 = arith.constant 256 : i32
      %dma_wait3A_190 = arith.constant 0 : i32
      %dma_wait3A_191 = tpu.memref_slice %arg6[%select_n3A_152, %dma_wait3A_189, %dma_wait3A_190] : memref<3x512x64xf32, #tpu.memory_space<vmem>> -> memref<1x128x64xf32, #tpu.memory_space<vmem>>
      %dma_wait3A_192 = tpu.memref_squeeze %dma_wait3A_191 : memref<1x128x64xf32, #tpu.memory_space<vmem>> -> memref<128x64xf32, #tpu.memory_space<vmem>>
      %dma_wait3A_193 = tpu.memref_slice %arg5[%add3A_164] : memref<25600xi32, #tpu.memory_space<vmem>> -> memref<128xi32, #tpu.memory_space<vmem>>
      %dma_wait3A_194 = arith.constant 0 : i32
      %dma_wait3A_195 = arith.constant 0 : i32
      %dma_wait3A_196 = tpu.memref_slice %arg3[%dma_wait3A_194, %dma_wait3A_195] : memref<129096x64xf32, #tpu.memory_space<hbm>> -> memref<129096x64xf32, #tpu.memory_space<hbm>>
      %dma_wait3A_197 = tpu.memref_slice %arg7[%select_n3A_152] : memref<3x!tpu.dma_semaphore, #tpu.memory_space<semaphore_mem>> -> memref<1x!tpu.dma_semaphore, #tpu.memory_space<semaphore_mem>>
      %dma_wait3A_198 = tpu.memref_squeeze %dma_wait3A_197 : memref<1x!tpu.dma_semaphore, #tpu.memory_space<semaphore_mem>> -> memref<!tpu.dma_semaphore, #tpu.memory_space<semaphore_mem>>
      tpu.wait_indirect_dma semaphore(%dma_wait3A_198 : memref<!tpu.dma_semaphore, #tpu.memory_space<semaphore_mem>>) src(%dma_wait3A_196 : memref<129096x64xf32, #tpu.memory_space<hbm>>) dst(%dma_wait3A_192 : memref<128x64xf32, #tpu.memory_space<vmem>>)
      %dma_wait3A_199 = arith.constant 384 : i32
      %dma_wait3A_200 = arith.constant 0 : i32
      %dma_wait3A_201 = tpu.memref_slice %arg6[%select_n3A_152, %dma_wait3A_199, %dma_wait3A_200] : memref<3x512x64xf32, #tpu.memory_space<vmem>> -> memref<1x128x64xf32, #tpu.memory_space<vmem>>
      %dma_wait3A_202 = tpu.memref_squeeze %dma_wait3A_201 : memref<1x128x64xf32, #tpu.memory_space<vmem>> -> memref<128x64xf32, #tpu.memory_space<vmem>>
      %dma_wait3A_203 = tpu.memref_slice %arg5[%add3A_168] : memref<25600xi32, #tpu.memory_space<vmem>> -> memref<128xi32, #tpu.memory_space<vmem>>
      %dma_wait3A_204 = arith.constant 0 : i32
      %dma_wait3A_205 = arith.constant 0 : i32
      %dma_wait3A_206 = tpu.memref_slice %arg3[%dma_wait3A_204, %dma_wait3A_205] : memref<129096x64xf32, #tpu.memory_space<hbm>> -> memref<129096x64xf32, #tpu.memory_space<hbm>>
      %dma_wait3A_207 = tpu.memref_slice %arg7[%select_n3A_152] : memref<3x!tpu.dma_semaphore, #tpu.memory_space<semaphore_mem>> -> memref<1x!tpu.dma_semaphore, #tpu.memory_space<semaphore_mem>>
      %dma_wait3A_208 = tpu.memref_squeeze %dma_wait3A_207 : memref<1x!tpu.dma_semaphore, #tpu.memory_space<semaphore_mem>> -> memref<!tpu.dma_semaphore, #tpu.memory_space<semaphore_mem>>
      tpu.wait_indirect_dma semaphore(%dma_wait3A_208 : memref<!tpu.dma_semaphore, #tpu.memory_space<semaphore_mem>>) src(%dma_wait3A_206 : memref<129096x64xf32, #tpu.memory_space<hbm>>) dst(%dma_wait3A_202 : memref<128x64xf32, #tpu.memory_space<vmem>>)
      %jit3A_209 = arith.constant 3 : i32
      %eq3A_210 = arith.constant 0 : i32
      %eq3A_211 = arith.cmpi eq, %jit3A_209, %eq3A_210 : i32
      %jit3A_212 = arith.constant 1 : i32
      %select_n3A_213 = arith.select %eq3A_211, %jit3A_212, %jit3A_209 : i32
      %rem3A_214 = arith.remsi %scan3A_134, %select_n3A_213 : i32
      %ne3A_215 = arith.constant 0 : i32
      %ne3A_216 = arith.cmpi ne, %rem3A_214, %ne3A_215 : i32
      %lt3A_217 = arith.constant 0 : i32
      %lt3A_218 = arith.cmpi slt, %rem3A_214, %lt3A_217 : i32
      %lt3A_219 = arith.constant 0 : i32
      %lt3A_220 = arith.cmpi slt, %select_n3A_213, %lt3A_219 : i32
      %ne3A_221 = arith.xori %lt3A_218, %lt3A_220 : i1
      %and3A_222 = arith.andi %ne3A_221, %ne3A_216 : i1
      %add3A_223 = arith.addi %rem3A_214, %select_n3A_213 : i32
      %select_n3A_224 = arith.select %and3A_222, %add3A_223, %rem3A_214 : i32
      %mul3A_225 = arith.constant 512 : i32
      %mul3A_226 = arith.muli %scan3A_134, %mul3A_225 : i32
      %add3A_227 = arith.addi %mul3A_2, %mul3A_226 : i32
      %dma_start3A_228 = arith.constant 0 : i32
      %dma_start3A_229 = arith.constant 0 : i32
      %dma_start3A_230 = tpu.memref_slice %arg6[%select_n3A_224, %dma_start3A_228, %dma_start3A_229] : memref<3x512x64xf32, #tpu.memory_space<vmem>> -> memref<1x512x64xf32, #tpu.memory_space<vmem>>
      %dma_start3A_231 = tpu.memref_squeeze %dma_start3A_230 : memref<1x512x64xf32, #tpu.memory_space<vmem>> -> memref<512x64xf32, #tpu.memory_space<vmem>>
      %dma_start3A_232 = arith.constant 0 : i32
      %dma_start3A_233 = tpu.memref_slice %arg4[%add3A_227, %dma_start3A_232] : memref<819200x64xf32, #tpu.memory_space<hbm>> -> memref<512x64xf32, #tpu.memory_space<hbm>>
      %dma_start3A_234 = tpu.memref_slice %arg8[%select_n3A_224] : memref<3x!tpu.dma_semaphore, #tpu.memory_space<semaphore_mem>> -> memref<1x!tpu.dma_semaphore, #tpu.memory_space<semaphore_mem>>
      %dma_start3A_235 = tpu.memref_squeeze %dma_start3A_234 : memref<1x!tpu.dma_semaphore, #tpu.memory_space<semaphore_mem>> -> memref<!tpu.dma_semaphore, #tpu.memory_space<semaphore_mem>>
      %dma_start3A_236 = arith.constant 0 : i32
      %dma_start3A_237 = tpu.memref_slice %arg4[%add3A_227, %dma_start3A_236] : memref<819200x64xf32, #tpu.memory_space<hbm>> -> memref<512x64xf32, #tpu.memory_space<hbm>>
      %dma_start3A_238 = arith.constant 0 : i32
      %dma_start3A_239 = arith.constant 0 : i32
      %dma_start3A_240 = tpu.memref_slice %arg6[%select_n3A_224, %dma_start3A_238, %dma_start3A_239] : memref<3x512x64xf32, #tpu.memory_space<vmem>> -> memref<1x512x64xf32, #tpu.memory_space<vmem>>
      %dma_start3A_241 = tpu.memref_squeeze %dma_start3A_240 : memref<1x512x64xf32, #tpu.memory_space<vmem>> -> memref<512x64xf32, #tpu.memory_space<vmem>>
      tpu.enqueue_dma source(%dma_start3A_241 : memref<512x64xf32, #tpu.memory_space<vmem>>) target(%dma_start3A_237 : memref<512x64xf32, #tpu.memory_space<hbm>>) target_semaphore(%dma_start3A_235 : memref<!tpu.dma_semaphore, #tpu.memory_space<semaphore_mem>>)
    }
    %scan3A_116 = arith.constant 50 : i32
    %add3A_117 = arith.constant 25088 : i32
    %add3A_118 = arith.addi %mul3A_2, %add3A_117 : i32
    %dma_wait3A = arith.constant 1 : i32
    %dma_wait3A_119 = arith.constant 1 : i32
    %dma_wait3A_120 = arith.constant 0 : i32
    %dma_wait3A_121 = arith.constant 0 : i32
    %dma_wait3A_122 = tpu.memref_slice %arg6[%dma_wait3A, %dma_wait3A_120, %dma_wait3A_121] : memref<3x512x64xf32, #tpu.memory_space<vmem>> -> memref<1x512x64xf32, #tpu.memory_space<vmem>>
    %dma_wait3A_123 = tpu.memref_squeeze %dma_wait3A_122 : memref<1x512x64xf32, #tpu.memory_space<vmem>> -> memref<512x64xf32, #tpu.memory_space<vmem>>
    %dma_wait3A_124 = arith.constant 0 : i32
    %dma_wait3A_125 = tpu.memref_slice %arg4[%add3A_118, %dma_wait3A_124] : memref<819200x64xf32, #tpu.memory_space<hbm>> -> memref<512x64xf32, #tpu.memory_space<hbm>>
    %dma_wait3A_126 = tpu.memref_slice %arg8[%dma_wait3A_119] : memref<3x!tpu.dma_semaphore, #tpu.memory_space<semaphore_mem>> -> memref<1x!tpu.dma_semaphore, #tpu.memory_space<semaphore_mem>>
    %dma_wait3A_127 = tpu.memref_squeeze %dma_wait3A_126 : memref<1x!tpu.dma_semaphore, #tpu.memory_space<semaphore_mem>> -> memref<!tpu.dma_semaphore, #tpu.memory_space<semaphore_mem>>
    %dma_wait3A_128 = arith.constant 0 : i32
    %dma_wait3A_129 = tpu.memref_slice %arg4[%add3A_118, %dma_wait3A_128] : memref<819200x64xf32, #tpu.memory_space<hbm>> -> memref<512x64xf32, #tpu.memory_space<hbm>>
    %dma_wait3A_130 = arith.constant 0 : i32
    %dma_wait3A_131 = arith.constant 0 : i32
    %dma_wait3A_132 = tpu.memref_slice %arg6[%dma_wait3A, %dma_wait3A_130, %dma_wait3A_131] : memref<3x512x64xf32, #tpu.memory_space<vmem>> -> memref<1x512x64xf32, #tpu.memory_space<vmem>>
    %dma_wait3A_133 = tpu.memref_squeeze %dma_wait3A_132 : memref<1x512x64xf32, #tpu.memory_space<vmem>> -> memref<512x64xf32, #tpu.memory_space<vmem>>
    tpu.wait_dma2 semaphore(%dma_wait3A_127 : memref<!tpu.dma_semaphore, #tpu.memory_space<semaphore_mem>>) src(%dma_wait3A_133 : memref<512x64xf32, #tpu.memory_space<vmem>>) dst(%dma_wait3A_129 : memref<512x64xf32, #tpu.memory_space<hbm>>)
    return
  }
}

</mosaic_0001>

<sc_bundles>
// kernel: _emb.3.cloned.1.call-start
scs
__scs_entry_jumppad:
0x0: {  	(pc) =	sbr.rel $0x88, $3  }
0x1: {  	(tag) =	ssettag $0x0;
	lr =	simm.s32 $0x1  }
0x2: {  	[smem:$0x3F9F] =	sst lr;
	_ =	strace $0xD0000000  }
0x3: {  	_ = 	snop  }
0x4: {  	_ = 	snop  }
0x5: {  	_ = 	snop  }
0x6: {  	_ = 	snop  }
0x7: {  	_ = 	snop  }
__scs_overlays_trampoline_lowered:
0x8: {  	[smem:$0x3FAE] =	sst s0  }
0x9: {  	[smem:$0x3FAF] =	sst s1  }
0xa: {  	[smem:$0x3FB0] =	sst s2  }
0xb: {  	[smem:$0x3FB1] =	sst s3  }
0xc: {  	[smem:$0x3FB2] =	sst s4  }
0xd: {  	[smem:$0x3FB3] =	sst s5  }
0xe: {  	[smem:$0x3FB4] =	sst s6  }
0xf: {  	[smem:$0x3FB5] =	sst s7  }
0x10: {  	[smem:$0x3FB6] =	sst s8  }
0x11: {  	[smem:$0x3FB7] =	sst s9;
	s0 =	simm.s32 @!p0 $0x0  }
0x12: {  	s1 =	sld [smem:$0x3F9D];
	s0 =	simm.s32 @p0 $0x1  }
0x13: {  	[smem:$0x3FB8] =	sst s0;
	s0 =	simm.s32 @!p1 $0x0  }
0x14: {  	s2 =	sld [smem:$0x3F9C];
	s0 =	simm.s32 @p1 $0x1  }
0x15: {  	[smem:$0x3FB9] =	sst s0;
	s0 =	simm.s32 @!p2 $0x0  }
0x16: {  	s3 =	sld [smem:$0x3FDB];
	s0 =	simm.s32 @p2 $0x1  }
0x17: {  	s4 =	simm.s32 $0x1BF5;
	[smem:$0x3FBB] =	sst s0  }
0x18: {  	s0 =	sld [smem:$0x3F9E];
	_ =	swait.ge [sflag:s4], $0x0  }
0x19: {  	s7 =	sld [smem:$0x3F9F]  }
0x1a: {  	s8 =	sadd.s32 $0xFFFFE003, lr  }
0x1b: {  	s9 =	sadd.s32 $0xFFFFFEF7, lr;
	s5 =	simm.s32 $0xFFFFFFFF;
	p2 =	slt.u32 s8, $0xFFFFF086  }
0x1c: {  	p1 =	slt.u32 s9, $0xF7A;
	s5 =	simm.s32 @!p2 $0x0  }
0x1d: {  	s5 =	simm.s32 @p1 $0x1;
	p0 =	seq.s32 s7, s2  }
0x1e: {  	s7 =	smul.u32 @!p0 $0xF7A, s2;
	p2 =	seq.s32 @!p0 s5, $0x0  }
0x1f: {  	s9 =	smul.u32 $0xF7A, s1;
	s8 =	simm.s32 @!p0 $0x1BF5;
	p2 =	por !p2, p0  }
0x20: {  	[sflag:s8] =	ssyncset.s32 @!p0 $0xFFFFF086;
	s6 =	sadd.s32 @!p0 s3, s7;
	s7 =	simm.s32 @!p0 $0x108  }
0x21: {  	s3 =	sadd.s32 s3, s9;
	s6 =	sadd.s32 @!p0 $0x88, s6;
	s7 =	simm.s32 @p2 $0x1082  }
0x22: {  	[simem:s7], [sflag:s8] =	dma.local @!p0 [hbm:s6], $0xF7A  }
0x23: {  	s9 =	sor.u32 $0xD0000000, s2;
	s6 =	simm.s32 $0x108;
	_ =	swait.ge @!p0 [sflag:s8], $0x0  }
0x24: {  	s3 =	sadd.s32 $0x88, s3;
	s6 =	simm.s32 @!p1 $0x1082;
	[sflag:s4] =	ssyncset.s32 $0xFFFFF086  }
0x25: {  	[simem:s6], [sflag:s4] =	dma.local [hbm:s3], $0xF7A  }
0x26: {  	[smem:$0x3F9F] =	sst s1;
	(tag) =	ssettag s2;
	_ =	strace s9  }
0x27: {  	s1 =	sld [smem:$0x3FAF]  }
0x28: {  	s2 =	sld [smem:$0x3FB0]  }
0x29: {  	s4 =	sld [smem:$0x3FB2]  }
0x2a: {  	p0 =	seq.s32 s5, $0x0;
	s5 =	sld [smem:$0x3FB3]  }
0x2b: {  	s6 =	sld [smem:$0x3FB4]  }
0x2c: {  	s7 =	sld [smem:$0x3FB5]  }
0x2d: {  	s3 =	simm.s32 $0x108;
	s8 =	sld [smem:$0x3FB6]  }
0x2e: {  	s3 =	simm.s32 @!p0 $0x1082;
	s9 =	sld [smem:$0x3FB7]  }
0x2f: {  	lr =	sadd.s32 s0, s3;
	s0 =	sld [smem:$0x3FAE]  }
0x30: {  	s3 =	sld [smem:$0x3FB1]  }
0x31: {  	[smem:$0x3FBA] =	sst s10  }
0x32: {  	s10 =	sld [smem:$0x3FB8];
	_ =	sdelay $0x3  }
0x33: {  	p0 =	seq.s32 s10, $0x1;
	s10 =	sld [smem:$0x3FBA];
	_ =	sdelay $0x3  }
0x34: {  	[smem:$0x3FBA] =	sst s10  }
0x35: {  	s10 =	sld [smem:$0x3FB9];
	_ =	sdelay $0x3  }
0x36: {  	p1 =	seq.s32 s10, $0x1;
	s10 =	sld [smem:$0x3FBA];
	_ =	sdelay $0x3  }
0x37: {  	[smem:$0x3FBA] =	sst s10  }
0x38: {  	s10 =	sld [smem:$0x3FBB]  }
0x39: {  	_ = 	snop;
	(pc) =	sbr.ind lr, $3  }
0x3a: {  	_ = 	snop  }
0x3b: {  	_ = 	snop  }
0x3c: {  	p2 =	seq.s32 s10, $0x1;
	s10 =	sld [smem:$0x3FBA]  }
0x3d: {  	_ =	shalt  }
0x3e: {  	_ =	shalt  }
0x3f: {  	_ =	shalt  }
0x40: {  	_ =	shalt  }
0x41: {  	_ =	shalt  }
0x42: {  	_ =	shalt  }
0x43: {  	_ =	shalt  }
0x44: {  	_ =	shalt  }
0x45: {  	_ =	shalt  }
0x46: {  	_ =	shalt  }
0x47: {  	_ =	shalt  }
0x48: {  	_ =	shalt  }
0x49: {  	_ =	shalt  }
0x4a: {  	_ =	shalt  }
0x4b: {  	_ =	shalt  }
0x4c: {  	_ =	shalt  }
0x4d: {  	_ =	shalt  }
0x4e: {  	_ =	shalt  }
0x4f: {  	_ =	shalt  }
0x50: {  	_ =	shalt  }
0x51: {  	_ =	shalt  }
0x52: {  	_ =	shalt  }
0x53: {  	_ =	shalt  }
0x54: {  	_ =	shalt  }
0x55: {  	_ =	shalt  }
0x56: {  	_ =	shalt  }
0x57: {  	_ =	shalt  }
0x58: {  	_ =	shalt  }
0x59: {  	_ =	shalt  }
0x5a: {  	_ =	shalt  }
0x5b: {  	_ =	shalt  }
0x5c: {  	_ =	shalt  }
0x5d: {  	_ =	shalt  }
0x5e: {  	_ =	shalt  }
0x5f: {  	_ =	shalt  }
0x60: {  	_ =	shalt  }
0x61: {  	_ =	shalt  }
0x62: {  	_ =	shalt  }
0x63: {  	_ =	shalt  }
0x64: {  	_ =	shalt  }
0x65: {  	_ =	shalt  }
0x66: {  	_ =	shalt  }
0x67: {  	_ =	shalt  }
0x68: {  	_ =	shalt  }
0x69: {  	_ =	shalt  }
0x6a: {  	_ =	shalt  }
0x6b: {  	_ =	shalt  }
0x6c: {  	_ =	shalt  }
0x6d: {  	_ =	shalt  }
0x6e: {  	_ =	shalt  }
0x6f: {  	_ =	shalt  }
0x70: {  	_ =	shalt  }
0x71: {  	_ =	shalt  }
0x72: {  	_ =	shalt  }
0x73: {  	_ =	shalt  }
0x74: {  	_ =	shalt  }
0x75: {  	_ =	shalt  }
0x76: {  	_ =	shalt  }
0x77: {  	_ =	shalt  }
0x78: {  	_ =	shalt  }
0x79: {  	_ =	shalt  }
0x7a: {  	_ =	shalt  }
0x7b: {  	_ =	shalt  }
0x7c: {  	_ =	shalt  }
0x7d: {  	_ =	shalt  }
0x7e: {  	_ =	shalt  }
0x7f: {  	_ =	shalt  }
0x80: {  	_ =	shalt  }
0x81: {  	_ =	shalt  }
0x82: {  	_ =	shalt  }
0x83: {  	_ =	shalt  }
0x84: {  	_ =	shalt  }
0x85: {  	_ =	shalt  }
0x86: {  	_ =	shalt  }
0x87: {  	_ =	shalt  }
.Lfunc_end0:
.L_simem_size_0:
called_computation.1_lowered:
.L_overlay_start_0:
0x88: {  	s2 =	sld [smem:$0x3FD9]  }
0x89: {  	s3 =	sld [smem:$0x3FFE];
	_ =	sdelay $0x1  }
0x8a: {  	s1 =	srdreg.scid  }
0x8b: {  	s0 =	sand.u32 $0x1, s1  }
0x8c: {  	s17 =	sshll.u32 s0, $0xA;
	s2 =	sadd.s32 s3, s2  }
0x8d: {  	s2 =	sadd.s32 s2, s17  }
0x8e: {  	[smem:$0x3FC6] =	sst s2  }
0x8f: {  	_ = 	snop  }
0x90: {  	s2 =	sld [smem:$0x3FC9]  }
0x91: {  	s18 =	sld [smem:$0x3FD0];
	(tm) =	ssettm $0x1  }
0x92: {  	s4 =	sld [smem:$0x3FFB];
	_ =	sdelay $0x3  }
0x93: {  	_ =	strace s4  }
0x94: {  	s4 =	sld [smem:$0x3FFC];
	_ =	sdelay $0x3  }
0x95: {  	_ =	strace s4  }
0x96: {  	s4 =	sld [smem:$0x3FFD];
	_ =	sdelay $0x3  }
0x97: {  	_ =	strace s4  }
0x98: {  	_ =	strace $0x8FFFFFFF  }
0x99: {  	s19 =	sld [smem:$0x3FDB];
	_ =	sdelay $0x1  }
0x9a: {  	s5 =	simm.s32 $_scs_section_size  }
0x9b: {  	s6 =	simm.s32 $_size__tile_overlayer_lowered;
	s7 =	simm.s32 $_tile_overlayer_lowered  }
0x9c: {  	s22 =	simm.s32 $0x1BFF;
	s21 =	sshll.u32 s7, $0x1;
	s4 =	sadd.s32 s5, s19  }
0x9d: {  	s8 =	simm.s32 $0x0;
	s20 =	sshll.u32 s6, $0x1;
	s6 =	sadd.s32 s21, s4  }
0x9e: {  	[timem:s8], [sflag:s22] =	dma.local [hbm:s6], s20  }
0x9f: {  	_ =	swait.ge [sflag:s22], s20  }
0xa0: {  	s5 =	ssub.s32 $0x0, s20;
	[sflag:s22] =	ssyncset.done $0x0  }
0xa1: {  	[sflag:s22] =	ssyncadd.s32 s5;
	_ =	sdelay $0x1  }
0xa2: {  	s23 =	simm.s32 $0x1B8B  }
0xa3: {  	_ =	swait.ge [sflag:s23], $0x1  }
0xa4: {  	[sflag:s23] =	ssyncset.done $0x0  }
0xa5: {  	s25 =	simm.s32 $0x1B8E;
	s24 =	sld [smem:$0x3FFE];
	[sflag:s23] =	ssyncadd.s32 $0xFFFFFFFF  }
0xa6: {  	s26 =	simm.s32 $execute0_lowered;
	[smem:$0x3FD2] =	sst s25  }
0xa7: {  	s6 =	sshll.u32 s26, $0x1;
	_ =	strace $0x80000046;
	[dreg:$0x1] =	wrdreg $0xFFFFFFFF  }
0xa8: {  	s28 =	simm.s32 $_size_execute0_lowered;
	s4 =	sadd.s32 s4, s6;
	[dreg:$0x0] =	wrdreg $0x0  }
0xa9: {  	s6 =	sshll.u32 s28, $0x1;
	[dreg:$0x2] =	wrdreg s4  }
0xaa: {  	[dreg:$0x3] =	wrdreg s6  }
0xab: {  	[dreg:$0x4] =	wrdreg $0xC0  }
0xac: {  	_ =	task [dreg:s8], $0x5FFFF  }
0xad: {  	[dreg:$0x1] =	wrdreg $0xFFFFFFFF  }
0xae: {  	[dreg:$0x0] =	wrdreg $0x60  }
0xaf: {  	[dreg:$0x2] =	wrdreg s2  }
0xb0: {  	[dreg:$0x3] =	wrdreg s24  }
0xb1: {  	[dreg:$0x4] =	wrdreg s18  }
0xb2: {  	[dreg:$0x5] =	wrdreg $0x9  }
0xb3: {  	_ =	task.clear_ibuf [dreg:s8], $0x6FFFF;
	_ =	strace $0x90000046  }
0xb4: {  	s29 =	simm.s32 $0x9;
	_ =	strace $0x80000048  }
0xb5: {  	_ =	swait.ge [sflag:s29], $0x1  }
0xb6: {  	[sflag:s29] =	ssyncadd.s32 $0xFFFFFFFF  }
0xb7: {  	_ =	strace $0x90000048  }
0xb8: {  	_ =	sfence  }
0xb9: {  	s30 =	sld [smem:$0x0];
	_ =	sdelay $0x2  }
0xba: {  	s31 =	sshll.u32 s1, $0xD;
	s1 =	sshrl.u32 s1, $0x2  }
0xbb: {  	s3 =	sand.u32 $0x4000, s31;
	s1 =	sadd.s32 s1, s30  }
0xbc: {  	s0 =	sor.u32 s3, s0;
	s1 =	sshll.u32 s1, $0x11  }
0xbd: {  	s0 =	sor.u32 s1, s0  }
0xbe: {  	s0 =	sadd.s32 $0x8F2B, s0  }
0xbf: {  	[sflag:s0] =	ssyncadd.remote.s32 $0x1  }
0xc0: {  	_ =	sfence.sel $0xFFFF  }
0xc1: {  	[dreg:$0x0] =	wrdreg $0xFFFFFFFF;
	(pc) =	sbr.abs _section_cstart, $3  }
0xc2: {  	[dreg:$0x1] =	wrdreg $0xFFFFFFFF  }
0xc3: {  	_ =	task.clear_ibuf [dreg:s8], $0x2FFFF;
	_ =	strace $0x9FFFFFFF  }
0xc4: {  	(tm) =	ssettm $0x7FFFFFFF  }
0xc5: {  	_ =	shalt  }
tec
execute0_lowered:
.L_overlay_start_1:
0x0: {  	(tag) =	ssettag $0x1  }
0x1: {  	s4 =	rddreg [dreg:$0x0]  }
0x2: {  	s3 =	rddreg [dreg:$0x1]  }
0x3: {  	s6 =	rddreg [dreg:$0x2]  }
0x4: {  	s5 =	srdreg.scid;
	s0 =	stileid.u32;
	s2 =	simm.s32 $0x0  }
0x5: {  	s11 =	simm.s32 $0x100;
	s12 =	simm.s32 $0xA400;
	s13 =	simm.s32 $0x180  }
0x6: {  	s14 =	simm.s32 $0xC400;
	s15 =	simm.s32 $0x200;
	s16 =	simm.s32 $0xE400  }
0x7: {  	s17 =	simm.s32 $0x280;
	s18 =	simm.s32 $0x10400;
	s19 =	simm.s32 $0x300  }
0x8: {  	s20 =	simm.s32 $0x12400;
	s21 =	simm.s32 $0x380;
	s22 =	simm.s32 $0x14400  }
0x9: {  	s23 =	simm.s32 $0x5;
	s24 =	simm.s32 $0x0;
	s5 =	sand.u32 $0x1, s5  }
0xa: {  	s7 =	smul.u32 $0x320000, s0;
	[smem:$0x7FF] =	sst s2;
	s8 =	sshll.u32 s0, $0x1  }
0xb: {  	s3 =	sadd.s32 $0x800, s3;
	s9 =	smul.u32 $0x190000, s5;
	_ =	strace $0x80000047  }
.Ltmp0:
0xc: {  	s10 =	ssub.s32 $0x2, s5;
	s5 =	sor.u32 s5, s8;
	(pc) =	sbr.rel .LBB2_1-.Ltmp0, $4  }
0xd: {  	s31 =	sshrl.u32 s10, $0x1;
	s5 =	smul.u32 $0xC80, s5;
	s7 =	sadd.s32 s9, s7  }
0xe: {  	s8 =	ssub.s32 s10, s31;
	s9 =	simm.s32 $0x6400;
	s10 =	simm.s32 $0x8400  }
0xf: {  	s7 =	sshrl.u32 s7, $0x3;
	s4 =	sadd.s32 s4, s5;
	s5 =	smax.u32 s8, $0x1  }
0x10: {  	s8 =	simm.s32 $0x80;
	s6 =	sadd.s32 s7, s6;
	s7 =	simm.s32 $0x7  }
.LBB2_7:
0x11: {  	s24 =	sadd.s32 $0x1, s24  }
0x12: {  	p0 =	sne.s32 s24, s5  }
.Ltmp1:
0x13: {  	_ = 	snop;
	(pc) =	sbr.rel @!p0 .LBB2_8-.Ltmp1, $4  }
0x14: {  	_ = 	snop  }
0x15: {  	_ =	swait.ge [sflag:s23], $0x8000  }
0x16: {  	[sflag:s23] =	ssyncset.done $0x0  }
0x17: {  	[sflag:s23] =	ssyncadd.s32 $0xFFFF8000  }
.LBB2_1:
0x18: {  	[tilespmem:s2], [sflag:$0x7] =	stream.linear.gather [hbm4b:s4+s2], $0x6400, $0x38;
	[tilespmem:$0x1E400] =	vst v63  }
0x19: {  	_ =	swait.ge [sflag:s7], $0x6400  }
0x1a: {  	[sflag:s7] =	ssyncset.done $0x0  }
0x1b: {  	s25 =	simm.s32 $0x0;
	s26 =	simm.s32 $0x40;
	[sflag:s7] =	ssyncadd.s32 $0xFFFF9C00  }
.LBB2_2:
0x1c: {  	p0 =	sne.s32 s26, $0x18FC0;
	v0 =	vld [tilespmem:s25+$0x0];
	_ =	sdelay $0x3  }
.Ltmp2:
0x1d: {  	(pc) =	sbr.rel @p0 .LBB2_2-.Ltmp2, $4  }
0x1e: {  	v1 =	vadd.s32 $0xFFFC2F70, v0;
	v0 =	vand.u32 $0xFFF, v0  }
0x1f: {  	vm0 =	vlt.u32 v1, $0x1E848;
	v0 =	vadd.s32 $0x1E848, v0  }
0x20: {  	v0 =	vsel vm0, v1, v0  }
0x21: {  	[tilespmem:s25+$0x0] =	vst v0;
	s25 =	sshra.s32 s26, $0x2;
	s26 =	sadd.s32 $0x40, s26  }
0x22: {  	v0 =	vld [tilespmem:s25+$0x0];
	_ =	sdelay $0x4  }
0x23: {  	v1 =	vadd.s32 $0xFFFC2F70, v0;
	v0 =	vand.u32 $0xFFF, v0  }
0x24: {  	vm0 =	vlt.u32 v1, $0x1E848;
	v0 =	vadd.s32 $0x1E848, v0  }
0x25: {  	v0 =	vsel vm0, v1, v0  }
0x26: {  	[tilespmem:s25+$0x0] =	vst v0;
	s25 =	simm.s32 $0x0  }
0x27: {  	[tilespmem:s9], [sflag:$0x1] =	stream.indirect.gather [hbm4b:s3+s8], $0x40, s25, s8, $0xb8;
	[tilespmem:$0x1E400] =	vst v63  }
0x28: {  	_ = 	snop  }
0x29: {  	[tilespmem:s10], [sflag:$0x1] =	stream.indirect.gather [hbm4b:s3+s8], $0x40, s8, s8, $0xb8;
	[tilespmem:$0x1E400] =	vst v63  }
0x2a: {  	_ = 	snop  }
0x2b: {  	[tilespmem:s12], [sflag:$0x1] =	stream.indirect.gather [hbm4b:s3+s8], $0x40, s11, s8, $0xb8;
	[tilespmem:$0x1E400] =	vst v63  }
0x2c: {  	_ = 	snop  }
0x2d: {  	[tilespmem:s14], [sflag:$0x1] =	stream.indirect.gather [hbm4b:s3+s8], $0x40, s13, s8, $0xb8;
	[tilespmem:$0x1E400] =	vst v63  }
0x2e: {  	_ = 	snop  }
0x2f: {  	[tilespmem:s16], [sflag:$0x2] =	stream.indirect.gather [hbm4b:s3+s8], $0x40, s15, s8, $0xb8;
	[tilespmem:$0x1E400] =	vst v63  }
0x30: {  	_ = 	snop  }
0x31: {  	[tilespmem:s18], [sflag:$0x2] =	stream.indirect.gather [hbm4b:s3+s8], $0x40, s17, s8, $0xb8;
	[tilespmem:$0x1E400] =	vst v63  }
.Ltmp3:
0x32: {  	_ = 	snop;
	(pc) =	sbr.rel .LBB2_4-.Ltmp3, $4  }
0x33: {  	_ = 	snop  }
0x34: {  	[tilespmem:s20], [sflag:$0x2] =	stream.indirect.gather [hbm4b:s3+s8], $0x40, s19, s8, $0xb8;
	[tilespmem:$0x1E400] =	vst v63  }
0x35: {  	s26 =	simm.s32 $0x0;
	s28 =	smov.u32 s6  }
0x36: {  	[tilespmem:s22], [sflag:$0x2] =	stream.indirect.gather [hbm4b:s3+s8], $0x40, s21, s8, $0xb8;
	[tilespmem:$0x1E400] =	vst v63  }
.LBB2_6:
0x37: {  	s0 =	sand.u32 $0xFF, s29  }
0x38: {  	s0 =	smul.u32 $0xAB, s0;
	_ =	sdelay $0x1  }
0x39: {  	s0 =	sshrl.u32 s0, $0x9  }
0x3a: {  	s0 =	smul.u32 $0x3, s0;
	_ =	sdelay $0x1  }
0x3b: {  	s0 =	ssub.s32 s29, s0  }
0x3c: {  	s0 =	sand.u32 $0xFF, s0  }
0x3d: {  	s1 =	sadd.s32 $0x1, s0  }
0x3e: {  	_ =	swait.ge [sflag:s1], $0x2000  }
0x3f: {  	[sflag:s1] =	ssyncset.done $0x0  }
0x40: {  	[sflag:s1] =	ssyncadd.s32 $0xFFFFE000  }
0x41: {  	_ =	swait.ge [sflag:s1], $0x2000  }
0x42: {  	[sflag:s1] =	ssyncset.done $0x0  }
0x43: {  	[sflag:s1] =	ssyncadd.s32 $0xFFFFE000  }
0x44: {  	_ =	swait.ge [sflag:s1], $0x2000  }
0x45: {  	s26 =	sadd.s32 $0x800, s26;
	[sflag:s1] =	ssyncset.done $0x0  }
0x46: {  	p0 =	sne.s32 s26, $0x19000;
	[sflag:s1] =	ssyncadd.s32 $0xFFFFE000  }
.Ltmp4:
0x47: {  	_ =	swait.ge [sflag:s1], $0x2000;
	(pc) =	sbr.rel @!p0 .LBB2_7-.Ltmp4, $4  }
0x48: {  	s30 =	sshll.u32 s0, $0xF;
	[sflag:s1] =	ssyncset.done $0x0  }
0x49: {  	s0 =	sor.u32 $0x4, s0;
	s31 =	sor.u32 $0x6400, s30;
	[sflag:s1] =	ssyncadd.s32 $0xFFFFE000  }
0x4a: {  	[hbm4b:s28+s2] =	stream.linear.scatter [tilespmem:s31], [sflag:s0], $0x8000, $0x38;
	[tilespmem:$0x1E400] =	vst v63  }
0x4b: {  	s25 =	sadd.s32 $0x1, s25;
	s28 =	sadd.s32 $0x1000, s28  }
.LBB2_4:
0x4c: {  	p0 =	seq.s32 s26, $0x0  }
0x4d: {  	s29 =	sadd.s32 @!p0 $0xFFFFFFFF, s25  }
0x4e: {  	s30 =	sand.u32 @!p0 $0xFF, s29  }
0x4f: {  	s30 =	smul.u32 @!p0 $0xAB, s30;
	_ =	sdelay $0x1  }
0x50: {  	s30 =	sshrl.u32 @!p0 s30, $0x9  }
0x51: {  	s30 =	smul.u32 @!p0 $0x3, s30  }
0x52: {  	p1 =	sgt.u32 @!p0 s25, $0x2F  }
0x53: {  	p1 =	por p0, !p1;
	s29 =	ssub.s32 @!p0 s29, s30  }
.Ltmp5:
0x54: {  	s29 =	sor.u32 @!p0 $0x4, s29;
	(pc) =	sbr.rel @!p1 .LBB2_6-.Ltmp5, $4  }
0x55: {  	s29 =	sand.u32 @!p0 $0xFF, s29  }
0x56: {  	_ =	swait.ge @!p0 [sflag:s29], $0x8000  }
0x57: {  	[sflag:s29] =	ssyncset.done @!p0 $0x0  }
0x58: {  	[sflag:s29] =	ssyncadd.s32 @!p0 $0xFFFF8000;
	s29 =	smov.u32 s25  }
0x59: {  	s29 =	sadd.s32 $0x2, s25  }
0x5a: {  	s30 =	smul.u32 $0xAB, s29;
	_ =	sdelay $0x1  }
0x5b: {  	s30 =	sshrl.u32 s30, $0x9  }
0x5c: {  	s30 =	sand.u32 $0x7F, s30  }
0x5d: {  	s30 =	smul.u32 $0x3, s30;
	_ =	sdelay $0x1  }
0x5e: {  	s29 =	ssub.s32 s29, s30  }
0x5f: {  	s29 =	sand.u32 $0xFF, s29  }
0x60: {  	s31 =	sshra.s32 s26, $0x2;
	s30 =	sshll.u32 s29, $0xF  }
0x61: {  	s1 =	sadd.s32 $0x400, s31;
	s29 =	sadd.s32 $0x1, s29;
	s0 =	sor.u32 $0x6400, s30  }
0x62: {  	[tilespmem:s0], [sflag:s29] =	stream.indirect.gather [hbm4b:s3+s8], $0x40, s1, s8, $0xb8;
	[tilespmem:$0x1E400] =	vst v63  }
0x63: {  	s0 =	sadd.s32 $0x8400, s30;
	s1 =	sadd.s32 $0x480, s31  }
0x64: {  	[tilespmem:s0], [sflag:s29] =	stream.indirect.gather [hbm4b:s3+s8], $0x40, s1, s8, $0xb8;
	[tilespmem:$0x1E400] =	vst v63  }
0x65: {  	s0 =	sadd.s32 $0xA400, s30;
	s1 =	sadd.s32 $0x500, s31  }
0x66: {  	[tilespmem:s0], [sflag:s29] =	stream.indirect.gather [hbm4b:s3+s8], $0x40, s1, s8, $0xb8;
	[tilespmem:$0x1E400] =	vst v63  }
.Ltmp6:
0x67: {  	_ = 	snop;
	(pc) =	sbr.rel .LBB2_6-.Ltmp6, $4  }
0x68: {  	s30 =	sadd.s32 $0xC400, s30;
	s31 =	sadd.s32 $0x580, s31  }
0x69: {  	[tilespmem:s30], [sflag:s29] =	stream.indirect.gather [hbm4b:s3+s8], $0x40, s31, s8, $0xb8;
	[tilespmem:$0x1E400] =	vst v63  }
0x6a: {  	s29 =	smov.u32 s25  }
0x6b: {  	s29 =	simm.s32 @p0 $0x0  }
.LBB2_8:
0x6c: {  	_ =	sfence.sel $0x180000  }
0x6d: {  	[bflag:$0x0] =	sbarrier.arrive $0xFFFF  }
0x6e: {  	_ =	strace $0x90000047  }
0x6f: {  	s0 =	stileid.u32;
	[bflag:$0x2] =	sbarrier.arrive $0xFFFF  }
0x70: {  	p0 =	sne.s32 s0, $0x0;
	s0 =	rddreg [dreg:$0x3]  }
0x71: {  	s0 =	sadd.s32 @!p0 $0x100000, s0  }
0x72: {  	[sflag:s0] =	ssyncadd.tile.s32 @!p0 $0x1;
	_ =	shalt  }
.Lfunc_end2:
_tile_overlayer_lowered:
.L_overlay_start_2:
0x73: {  	(tag) =	ssettag $0x2  }
0x74: {  	s0 =	rddreg [dreg:$0x0];
	s2 =	stileid.u32  }
0x75: {  	s1 =	rddreg [dreg:$0x1];
	p0 =	sne.s32 s2, $0x0  }
0x76: {  	s3 =	rddreg [dreg:$0x2];
	[bflag:$0x3] =	sbarrier.arrive $0xFFFF;
	s2 =	simm.s32 @!p0 $0x1C07  }
0x77: {  	[timem:s3], [sflag:s2] =	dma.local @!p0 [hbm:s0], s1  }
0x78: {  	s0 =	simm.s32 @!p0 $0x7  }
0x79: {  	_ =	swait.ge @!p0 [sflag:s0], s1  }
0x7a: {  	s1 =	ssub.s32 @!p0 $0x0, s1;
	[sflag:s0] =	ssyncset.done @!p0 $0x0  }
0x7b: {  	[sflag:s0] =	ssyncadd.s32 @!p0 s1  }
0x7c: {  	[bflag:$0x3] =	sbarrier.arrive $0xFFFF  }
0x7d: {  	_ =	shalt  }

// kernel: sparse-core-data-format-call.cloned.1.call-start
scs
called_computation_lowered:
.L_overlay_start_0:
0x0: {  	s2 =	sld [smem:$0x3FD9]  }
0x1: {  	s3 =	sld [smem:$0x3FFE];
	_ =	sdelay $0x1  }
0x2: {  	s1 =	srdreg.scid  }
0x3: {  	s0 =	sand.u32 $0x1, s1  }
0x4: {  	s18 =	sshll.u32 s0, $0xA;
	s2 =	sadd.s32 s3, s2  }
0x5: {  	s2 =	sadd.s32 s2, s18  }
0x6: {  	[smem:$0x3FC6] =	sst s2  }
0x7: {  	_ = 	snop  }
0x8: {  	s2 =	sld [smem:$0x3FD0];
	(tm) =	ssettm $0x1  }
0x9: {  	s19 =	sld [smem:$0x3FFB];
	_ =	sdelay $0x3  }
0xa: {  	_ =	strace s19  }
0xb: {  	s3 =	sld [smem:$0x3FFC];
	_ =	sdelay $0x3  }
0xc: {  	_ =	strace s3  }
0xd: {  	s3 =	sld [smem:$0x3FFD];
	_ =	sdelay $0x3  }
0xe: {  	_ =	strace s3  }
0xf: {  	_ =	strace $0x8FFFFFFF  }
0x10: {  	s20 =	sld [smem:$0x3FDB];
	_ =	sdelay $0x1  }
0x11: {  	s4 =	simm.s32 $_scs_section_size  }
0x12: {  	s5 =	simm.s32 $_size__tile_overlayer_lowered;
	s6 =	simm.s32 $_tile_overlayer_lowered  }
0x13: {  	s23 =	simm.s32 $0x1BFF;
	s22 =	sshll.u32 s6, $0x1;
	s3 =	sadd.s32 s4, s20  }
0x14: {  	s7 =	simm.s32 $0x0;
	s21 =	sshll.u32 s5, $0x1;
	s5 =	sadd.s32 s22, s3  }
0x15: {  	[timem:s7], [sflag:s23] =	dma.local [hbm:s5], s21  }
0x16: {  	_ =	swait.ge [sflag:s23], s21  }
0x17: {  	s4 =	ssub.s32 $0x0, s21;
	[sflag:s23] =	ssyncset.done $0x0  }
0x18: {  	[sflag:s23] =	ssyncadd.s32 s4;
	_ =	sdelay $0x1  }
0x19: {  	s24 =	simm.s32 $0x1B8B  }
0x1a: {  	_ =	swait.ge [sflag:s24], $0x1  }
0x1b: {  	[sflag:s24] =	ssyncset.done $0x0  }
0x1c: {  	s26 =	simm.s32 $0x1B8E;
	s25 =	sld [smem:$0x3FFE];
	[sflag:s24] =	ssyncadd.s32 $0xFFFFFFFF  }
0x1d: {  	s27 =	simm.s32 $execute0_lowered;
	[smem:$0x3FD2] =	sst s26  }
0x1e: {  	s5 =	sshll.u32 s27, $0x1;
	_ =	strace $0x80000049;
	[dreg:$0x1] =	wrdreg $0xFFFFFFFF  }
0x1f: {  	s28 =	simm.s32 $_size_execute0_lowered;
	s3 =	sadd.s32 s3, s5;
	[dreg:$0x0] =	wrdreg $0x0  }
0x20: {  	s5 =	sshll.u32 s28, $0x1;
	[dreg:$0x2] =	wrdreg s3  }
0x21: {  	[dreg:$0x3] =	wrdreg s5  }
0x22: {  	[dreg:$0x4] =	wrdreg $0xC0  }
0x23: {  	_ =	task [dreg:s7], $0x5FFFF  }
0x24: {  	[dreg:$0x1] =	wrdreg $0xFFFFFFFF  }
0x25: {  	[dreg:$0x0] =	wrdreg $0x60  }
0x26: {  	[dreg:$0x2] =	wrdreg s25  }
0x27: {  	[dreg:$0x3] =	wrdreg s2  }
0x28: {  	[dreg:$0x4] =	wrdreg $0x9  }
0x29: {  	_ =	task.clear_ibuf [dreg:s7], $0x5FFFF;
	_ =	strace $0x90000049  }
0x2a: {  	s29 =	simm.s32 $0x9;
	_ =	strace $0x8000004B  }
0x2b: {  	_ =	swait.ge [sflag:s29], $0x1  }
0x2c: {  	[sflag:s29] =	ssyncadd.s32 $0xFFFFFFFF  }
0x2d: {  	_ =	strace $0x9000004B  }
0x2e: {  	_ =	sfence  }
0x2f: {  	s30 =	sld [smem:$0x0];
	_ =	sdelay $0x2  }
0x30: {  	s31 =	sshll.u32 s1, $0xD;
	s1 =	sshrl.u32 s1, $0x2  }
0x31: {  	s3 =	sand.u32 $0x4000, s31;
	s1 =	sadd.s32 s1, s30  }
0x32: {  	s0 =	sor.u32 s3, s0;
	s1 =	sshll.u32 s1, $0x11  }
0x33: {  	s0 =	sor.u32 s1, s0  }
0x34: {  	s0 =	sadd.s32 $0x8F2B, s0  }
0x35: {  	[sflag:s0] =	ssyncadd.remote.s32 $0x1  }
0x36: {  	_ =	sfence.sel $0xFFFF  }
0x37: {  	[dreg:$0x0] =	wrdreg $0xFFFFFFFF;
	(pc) =	sbr.abs _section_cstart, $3  }
0x38: {  	[dreg:$0x1] =	wrdreg $0xFFFFFFFF  }
0x39: {  	_ =	task.clear_ibuf [dreg:s7], $0x2FFFF;
	_ =	strace $0x9FFFFFFF  }
0x3a: {  	(tm) =	ssettm $0x7FFFFFFF  }
0x3b: {  	_ =	shalt  }
tec
execute0_lowered:
.L_overlay_start_1:
0x0: {  	(tag) =	ssettag $0x1  }
0x1: {  	s0 =	srdreg.scid  }
0x2: {  	s1 =	sshll.u32 s0, $0x4  }
0x3: {  	s4 =	rddreg [dreg:$0x0];
	s0 =	stileid.u32;
	s1 =	sand.u32 $0x10, s1  }
0x4: {  	s2 =	rddreg [dreg:$0x1];
	s7 =	simm.s32 $0x1;
	s1 =	sor.u32 s0, s1  }
0x5: {  	s8 =	simm.s32 $0x2;
	s11 =	simm.s32 $0x0;
	s3 =	sshll.u32 s1, $0x7  }
0x6: {  	s10 =	simm.s32 $0x0;
	s4 =	sadd.s32 $0x800, s4;
	s6 =	ssub.s32 $0xC8000, s3  }
.Ltmp0:
0x7: {  	s1 =	rddreg [dreg:$0x2];
	s5 =	sand.u32 $0xF80, s6;
	(pc) =	sbr.rel .LBB1_1-.Ltmp0, $4  }
0x8: {  	_ =	strace $0x8000004A;
	s9 =	smov.u32 s3;
	p0 =	sne.s32 s5, $0x0  }
0x9: {  	s6 =	sshrl.u32 s6, $0xC;
	s5 =	simm.s32 $0x1;
	s7 =	simm.s32 @!p0 $0x0  }
0xa: {  	[sflag:s5] =	ssyncpa.u1 $0x0;
	p0 =	por $0x0, $0x0;
	s6 =	sadd.s32 s7, s6  }
0xb: {  	[sflag:s8] =	ssyncpa.u1 $0x0;
	s8 =	simm.s32 $0x640000;
	s7 =	sadd.s32 $0x1, s6  }
.LBB1_4:
0xc: {  	s14 =	sshll.u32 s11, $0x3  }
0xd: {  	s30 =	sand.u32 $0x7F, s11;
	s15 =	sand.u32 $0xFFFFFC00, s14  }
0xe: {  	s11 =	sor.u32 s30, s15  }
0xf: {  	s15 =	smulhi.u32 $0x51EB851F, s11  }
0x10: {  	s14 =	smulhi.u32 $0x51EB851F, s14  }
0x11: {  	s15 =	sshrl.u32 s15, $0x12  }
0x12: {  	s14 =	sshrl.u32 s14, $0x12;
	s15 =	smul.u32 $0xC8000, s15  }
0x13: {  	s14 =	sand.u32 $0x3F, s14  }
0x14: {  	s14 =	smul.u32 $0x19000, s14;
	s11 =	ssub.s32 s11, s15  }
0x15: {  	[tilespmem:s13+$0x810 ss:$0x81] =	vst.msk $0xffff, v2;
	s15 =	sand.u32 $0x7, s11  }
0x16: {  	[tilespmem:s13+$0x1020 ss:$0x81] =	vst.msk $0xffff, v0;
	s14 =	sadd.s32 s2, s14;
	s11 =	sshrl.u32 s11, $0x3;
	s15 =	sshll.u32 s15, $0x12  }
0x17: {  	[tilespmem:s13+$0x0 ss:$0x81] =	vst.msk $0xffff, v1;
	s11 =	sadd.s32 s11, s14;
	s31 =	sor.u32 $0x400, s15  }
0x18: {  	[hbm4b:s11+s31] =	stream.strided.scatter [tilespmem:s12], [sflag:$0x2], $0x2000, s8, s31, $0x20;
	[tilespmem:$0x8080] =	vst v63  }
.LBB1_5:
0x19: {  	s13 =	sadd.s32 $0x1000, s9  }
0x1a: {  	p2 =	sgt.s32 s13, $0xC7FFF  }
0x1b: {  	s13 =	smov.u32 @p2 s3;
	p2 =	sne.s32 s10, s7  }
.Ltmp1:
0x1c: {  	p1 =	slt.u32 s10, $0x2;
	(pc) =	sbr.rel @!p2 .LBB1_6-.Ltmp1, $4  }
0x1d: {  	s12 =	simm.s32 @!p1 $0x2  }
0x1e: {  	s14 =	sadd.s32 $0x1, s10;
	_ =	swait.ge @!p1 [sflag:s12], $0x2000  }
0x1f: {  	s11 =	smov.u32 s9;
	p0 =	por !p0, !p0;
	[sflag:s12] =	ssyncset.done @!p1 $0x0  }
0x20: {  	s10 =	smov.u32 s14;
	s9 =	smov.u32 s13;
	[sflag:s12] =	ssyncadd.s32 @!p1 $0xFFFFE000  }
.LBB1_1:
0x21: {  	p1 =	sge.u32 s10, s6  }
0x22: {  	s12 =	sand.u32 @!p1 $0x1FFFFFF, s9  }
0x23: {  	s13 =	smulhi.u32 @!p1 $0x147AE15, s12;
	_ =	sdelay $0x1  }
0x24: {  	s13 =	sshrl.u32 @!p1 s13, $0xC  }
0x25: {  	s13 =	smul.u32 @!p1 $0xC8000, s13;
	_ =	sdelay $0x1  }
0x26: {  	s31 =	sadd.s32 $0xFFFFFFFF, s10;
	s14 =	sxor.u32 @!p1 $0xFFFFFFFF, s10;
	s12 =	ssub.s32 @!p1 s12, s13  }
0x27: {  	s15 =	simm.s32 @!p1 $0x80;
	s14 =	sshll.u32 @!p1 s14, $0xD;
	s12 =	sshll.u32 @!p1 s12, $0x4  }
0x28: {  	s13 =	sand.u32 @!p1 $0x2000, s14;
	s14 =	simm.s32 @!p1 $0x40;
	s12 =	sadd.s32 @!p1 s4, s12  }
0x29: {  	[tilespmem:s13], [sflag:$0x1] =	stream.strided.gather @!p1 [hbm4b:s12+s14], $0x2000, s15, s14, $0x38;
	[tilespmem:$0x8080] =	vst v63  }
0x2a: {  	p1 =	sge.u32 s31, s6  }
.Ltmp2:
0x2b: {  	_ = 	snop;
	(pc) =	sbr.rel @p1 .LBB1_5-.Ltmp2, $1  }
0x2c: {  	_ =	sdelay $0x3  }
0x2d: {  	s12 =	simm.s32 $0x1  }
0x2e: {  	_ =	swait.ge [sflag:s5], $0x2000;
	s12 =	simm.s32 @!p0 $0x0  }
0x2f: {  	[sflag:s5] =	ssyncset.done $0x0;
	s13 =	sshll.u32 s12, $0xD  }
0x30: {  	[sflag:s5] =	ssyncadd.s32 $0xFFFFE000;
	s16 =	sor.u32 $0x20, s13  }
0x31: {  	s12 =	smul.u32 $0x8100, s12;
	v3 =	vld [tilespmem:s16+$0x10]  }
0x32: {  	s30 =	sand.u32 $0x1, s10;
	v2 =	vld [tilespmem:s16+$0xFFFFFFF0]  }
0x33: {  	s13 =	smul.u32 $0x8100, s30;
	s12 =	sshrl.u32 s12, $0x2;
	v0 =	vld [tilespmem:s16+$0x0]  }
0x34: {  	v1 =	vld [tilespmem:s16+$0xFFFFFFE0];
	s14 =	sor.u32 $0x4000, s12  }
0x35: {  	s31 =	sshrl.u32 s13, $0x2;
	s13 =	sadd.s32 $0x0, s14  }
0x36: {  	s15 =	simm.s32 $0x4;
	s16 =	sadd.s32 $0x40, s16;
	s12 =	sor.u32 $0x4000, s31;
	[tilespmem:s13+$0x1830 ss:$0x81] =	vst.msk $0xffff, v3  }
.LBB1_3:
0x37: {  	v3 =	vld [tilespmem:s16+$0x10];
	p1 =	sne.s32 s15, $0x1FC;
	[tilespmem:s13+$0x810 ss:$0x81] =	vst.msk $0xffff, v2;
	s17 =	smov.u32 s15;
	s15 =	sadd.s32 $0x4, s15  }
.Ltmp3:
0x38: {  	v2 =	vld [tilespmem:s16+$0xFFFFFFF0];
	[tilespmem:s13+$0x1020 ss:$0x81] =	vst.msk $0xffff, v0;
	(pc) =	sbr.rel @p1 .LBB1_3-.Ltmp3, $4  }
0x39: {  	v0 =	vld [tilespmem:s16+$0x0];
	[tilespmem:s13+$0x0 ss:$0x81] =	vst.msk $0xffff, v1  }
0x3a: {  	s13 =	sshra.s32 s17, $0x2;
	v1 =	vld [tilespmem:s16+$0xFFFFFFE0]  }
0x3b: {  	s13 =	sadd.s32 s13, s14  }
0x3c: {  	s16 =	sadd.s32 $0x40, s16;
	[tilespmem:s13+$0x1830 ss:$0x81] =	vst.msk $0xffff, v3  }
.Ltmp4:
0x3d: {  	_ = 	snop;
	(pc) =	sbr.rel .LBB1_4-.Ltmp4, $1  }
0x3e: {  	_ =	sdelay $0x3  }
.LBB1_6:
0x3f: {  	_ =	sfence.sel $0x180000  }
0x40: {  	s2 =	simm.s32 $0x1;
	[bflag:$0x0] =	sbarrier.arrive $0xFFFF  }
0x41: {  	s31 =	simm.s32 $0x2;
	[sflag:s2] =	ssyncpa.u1 $0x1  }
0x42: {  	[sflag:s31] =	ssyncpa.u1 $0x1  }
0x43: {  	p0 =	sne.s32 s0, $0x0;
	_ =	strace $0x9000004A  }
0x44: {  	s0 =	sadd.s32 @!p0 $0x100000, s1;
	[bflag:$0x2] =	sbarrier.arrive $0xFFFF  }
0x45: {  	[sflag:s0] =	ssyncadd.tile.s32 @!p0 $0x1;
	_ =	shalt  }
.Lfunc_end1:
_tile_overlayer_lowered:
.L_overlay_start_2:
0x46: {  	(tag) =	ssettag $0x2  }
0x47: {  	s0 =	rddreg [dreg:$0x0];
	s2 =	stileid.u32  }
0x48: {  	s1 =	rddreg [dreg:$0x1];
	p0 =	sne.s32 s2, $0x0  }
0x49: {  	s3 =	rddreg [dreg:$0x2];
	[bflag:$0x3] =	sbarrier.arrive $0xFFFF;
	s2 =	simm.s32 @!p0 $0x1C01  }
0x4a: {  	[timem:s3], [sflag:s2] =	dma.local @!p0 [hbm:s0], s1  }
0x4b: {  	s0 =	simm.s32 @!p0 $0x1  }
0x4c: {  	_ =	swait.ge @!p0 [sflag:s0], s1  }
0x4d: {  	s1 =	ssub.s32 @!p0 $0x0, s1;
	[sflag:s0] =	ssyncset.done @!p0 $0x0  }
0x4e: {  	[sflag:s0] =	ssyncadd.s32 @!p0 s1  }
0x4f: {  	[bflag:$0x3] =	sbarrier.arrive $0xFFFF  }
0x50: {  	_ =	shalt  }

</sc_bundles>
